<compile_context>
chip_gen: v7x
topology: tpu7x:2x2x1
jax: 0.10.2.dev20260603
libtpu: 0.0.44.dev20260713+nightly
codegen_flags: <defaults>
</compile_context>

<pallas_src>
import functools

import jax
import jax.numpy as jnp
from jax import lax
from jax.experimental import pallas as pl
from jax.experimental.pallas import tpu as pltpu
from jax.experimental.pallas import tpu_sc as plsc

_TB = 40


def _sc_gather(table2, idx2):
    V2, D2 = table2.shape
    Bn = idx2.shape[0]
    NC, NS = 2, 16
    NW = NC * NS
    bpw = Bn // NW
    mesh = plsc.VectorSubcoreMesh(core_axis_name="c", subcore_axis_name="s")

    @functools.partial(
        pl.kernel,
        mesh=mesh,
        out_type=jax.ShapeDtypeStruct((Bn, D2), table2.dtype),
        scratch_types=[
            pltpu.VMEM((bpw,), jnp.int32),
            pltpu.VMEM((bpw, D2), jnp.float32),
            pltpu.SemaphoreType.DMA,
        ],
        compiler_params=pltpu.CompilerParams(use_tc_tiling_on_sc=True),
    )
    def gk(table_hbm, idx_hbm, out_hbm, idx_v, rows_v, sem):
        wid = lax.axis_index("s") * NC + lax.axis_index("c")
        base = wid * bpw
        pltpu.sync_copy(idx_hbm.at[pl.ds(base, bpw)], idx_v)
        pltpu.async_copy(table_hbm.at[idx_v], rows_v, sem).wait()
        pltpu.sync_copy(rows_v, out_hbm.at[pl.ds(base, bpw)])

    return gk(table2, idx2)


def _tpad_body(g, slab_ref, out_ref):
    x = slab_ref[...]
    y = jnp.transpose(x, (1, 0))
    z = jnp.zeros((g, 128 - y.shape[1]), y.dtype)
    out_ref[...] = jnp.concatenate([y, z], axis=1)


def _transpose_pad_table(table_t, V):
    D, _ = table_t.shape
    g = 8192
    return pl.pallas_call(
        functools.partial(_tpad_body, g),
        grid=(pl.cdiv(V, g),),
        in_specs=[pl.BlockSpec((D, g), lambda i: (0, i))],
        out_specs=pl.BlockSpec((g, 128), lambda i: (i, 0)),
        out_shape=jax.ShapeDtypeStruct((V, 128), table_t.dtype),
    )(table_t)


def _stats_body(nt, ds, slot_ref, meta_ref, gamma_ref, beta_ref, wt_ref,
                b_ref, scale_out, mnou_out, acc_ref):
    i = pl.program_id(0)
    n = pl.num_programs(0)

    @pl.when(i == 0)
    def _init():
        acc_ref[...] = jnp.zeros_like(acc_ref)

    x = slot_ref[...]
    acc_ref[0:ds, :] += jnp.sum(x, axis=0)
    acc_ref[ds:, :] += jnp.sum(x * x, axis=0)

    @pl.when(i == n - 1)
    def _finalize():
        meta = meta_ref[...]
        bsz = meta.shape[1]
        gam = gamma_ref[...]
        bet = beta_ref[...]
        wt = wt_ref[...]

        s1 = jnp.sum(acc_ref[0:ds, :], axis=1, keepdims=True)
        s2 = jnp.sum(acc_ref[ds:, :], axis=1, keepdims=True)
        mean_s = s1 / nt
        var_s = s2 / nt - mean_s * mean_s
        mean_m = jnp.sum(meta, axis=1, keepdims=True) / bsz
        var_m = (jnp.sum(meta * meta, axis=1, keepdims=True) / bsz
                 - mean_m * mean_m)

        scale_s = gam[0:ds, :] * lax.rsqrt(var_s + 1e-3)
        scale_m = gam[ds:, :] * lax.rsqrt(var_m + 1e-3)
        shift_s = bet[0:ds, :] - mean_s * scale_s
        shift_m = bet[ds:, :] - mean_m * scale_m

        bsum = (
            jnp.dot(wt[:, 0:ds], shift_s, preferred_element_type=jnp.float32)
            + jnp.dot(wt[:, ds:], shift_m, preferred_element_type=jnp.float32)
            + b_ref[...]
        )
        mm = (meta * scale_m).astype(jnp.bfloat16)
        wmt = wt[:, ds:].astype(jnp.bfloat16)
        mnou_out[...] = (
            jnp.dot(wmt, mm, preferred_element_type=jnp.float32) + bsum
        )
        scale_out[...] = scale_s


def _main_body(tb, ds, n_cls, slot_ref, rank_ref, mnou_ref, u_ref, scale_ref,
               wt_ref, rtt_ref, out_ref):
    bsz = slot_ref.shape[2]
    x3 = slot_ref[...]
    xs3 = (x3 * scale_ref[...]).astype(jnp.bfloat16)
    wst = wt_ref[...][:, 0:ds].astype(jnp.bfloat16)
    rtt = rtt_ref[...]
    idx2 = rank_ref[...]
    iot = lax.broadcasted_iota(jnp.int32, (n_cls, bsz), 0)
    mu = mnou_ref[...] + u_ref[...]

    wcat = jnp.concatenate([wst, rtt], axis=1)
    for k in range(tb):
        oh = (jnp.broadcast_to(idx2[k : k + 1, :], (n_cls, bsz)) == iot)
        a = jnp.concatenate([xs3[k], oh.astype(jnp.bfloat16)], axis=0)
        out_ref[k] = (
            jnp.dot(wcat, a, preferred_element_type=jnp.float32) + mu
        )


def kernel(slot_feat, meta_feat, uvcc, rank, uvcc_table, rank_table, gamma,
           beta, W, b):
    B, T, DS = slot_feat.shape
    DM = meta_feat.shape[1]
    D = W.shape[1]
    f32 = jnp.float32

    slot_t = slot_feat.transpose(1, 2, 0)
    meta_t = meta_feat.transpose(1, 0)
    rank_t = rank.astype(jnp.int32).transpose(1, 0)
    wt = W.transpose(1, 0)
    gamma2 = gamma.reshape(DS + DM, 1).astype(f32)
    beta2 = beta.reshape(DS + DM, 1).astype(f32)
    b2 = b.reshape(D, 1).astype(f32)
    n_cls = 208
    rtt_bf = (
        jnp.zeros((D, n_cls), jnp.bfloat16)
        .at[:, : rank_table.shape[0]]
        .set(rank_table.transpose(1, 0).astype(jnp.bfloat16))
    )

    V = uvcc_table.shape[0]
    tab_pad = _transpose_pad_table(uvcc_table.astype(f32).transpose(1, 0), V)
    u2 = _sc_gather(tab_pad, uvcc.astype(jnp.int32))
    u = u2[:, :D]
    u_t = u.transpose(1, 0)

    scale_s, mnou_t = pl.pallas_call(
        functools.partial(_stats_body, float(B * T), DS),
        grid=(T // _TB,),
        in_specs=[
            pl.BlockSpec((_TB, DS, B), lambda i: (i, 0, 0)),
            pl.BlockSpec((DM, B), lambda i: (0, 0)),
            pl.BlockSpec((DS + DM, 1), lambda i: (0, 0)),
            pl.BlockSpec((DS + DM, 1), lambda i: (0, 0)),
            pl.BlockSpec((D, DS + DM), lambda i: (0, 0)),
            pl.BlockSpec((D, 1), lambda i: (0, 0)),
        ],
        out_specs=[
            pl.BlockSpec((DS, 1), lambda i: (0, 0)),
            pl.BlockSpec((D, B), lambda i: (0, 0)),
        ],
        out_shape=[
            jax.ShapeDtypeStruct((DS, 1), f32),
            jax.ShapeDtypeStruct((D, B), f32),
        ],
        scratch_shapes=[pltpu.VMEM((2 * DS, B), f32)],
    )(slot_t, meta_t, gamma2, beta2, wt, b2)

    out_t = pl.pallas_call(
        functools.partial(_main_body, _TB, DS, n_cls),
        grid=(T // _TB,),
        in_specs=[
            pl.BlockSpec((_TB, DS, B), lambda i: (i, 0, 0)),
            pl.BlockSpec((_TB, B), lambda i: (i, 0)),
            pl.BlockSpec((D, B), lambda i: (0, 0)),
            pl.BlockSpec((D, B), lambda i: (0, 0)),
            pl.BlockSpec((DS, 1), lambda i: (0, 0)),
            pl.BlockSpec((D, DS + DM), lambda i: (0, 0)),
            pl.BlockSpec((D, n_cls), lambda i: (0, 0)),
        ],
        out_specs=pl.BlockSpec((_TB, D, B), lambda i: (i, 0, 0)),
        out_shape=jax.ShapeDtypeStruct((T, D, B), f32),
    )(slot_t, rank_t, mnou_t, u_t, scale_s, wt, rtt_bf)

    return out_t.transpose(2, 0, 1)

# --- scband reference (transcript-rebuilt; emitter-appended) ---
"""Pipeline reference for scband-input-layer-77094662963451 (READ-ONLY COPY).

The authoritative reference and input builder live on the scoring server;
editing this copy changes nothing except your own understanding.
"""

import jax, jax.numpy as jnp
import numpy as np

B, T, D_SLOT, D_META, D_MODEL = 1024, 200, 32, 32, 64
UVCC_NUM, MAX_TIME = 100000, 200


def setup_inputs(seed: int = 0) -> dict:
    key = jax.random.key(seed)
    ks = jax.random.split(key, 8)
    inp = {
        "slot_feat": jax.random.normal(ks[0], (B, T, D_SLOT), dtype=jnp.float32),
        "meta_feat": jax.random.normal(ks[1], (B, D_META), dtype=jnp.float32),
        "uvcc": jax.random.randint(ks[2], (B,), 0, UVCC_NUM + 1),
        "rank": jax.random.randint(ks[3], (B, T), 0, MAX_TIME),
        "uvcc_table": jax.random.normal(ks[4], (UVCC_NUM + 1, D_MODEL), dtype=jnp.float32) * 0.02,
        "rank_table": jax.random.normal(ks[5], (MAX_TIME, D_MODEL), dtype=jnp.float32) * 0.02,
        "gamma": jnp.ones((D_SLOT + D_META,), dtype=jnp.float32),
        "beta": jnp.zeros((D_SLOT + D_META,), dtype=jnp.float32),
        "W": jax.random.normal(ks[6], (D_SLOT + D_META, D_MODEL), dtype=jnp.float32) * 0.05,
        "b": jnp.zeros((D_MODEL,), dtype=jnp.float32),
    }
    return inp


def reference(slot_feat, meta_feat, uvcc, rank, uvcc_table, rank_table, gamma, beta, W, b):
    # meta_feat[:, None, :] tiled across max_time, concat with slot_feat
    t = slot_feat.shape[1]
    meta = jnp.tile(meta_feat[:, None, :], (1, t, 1))
    x = jnp.concatenate([slot_feat, meta], axis=-1)
    # BatchNormalization (training=True): batch statistics over all axes except channel
    mean = jnp.mean(x, axis=(0, 1), keepdims=True)
    var = jnp.var(x, axis=(0, 1), keepdims=True)
    xn = (x - mean) / jnp.sqrt(var + 1e-3)
    xn = xn * gamma + beta
    # Dense(d_model)
    h = xn @ W + b
    # uvcc embedding lookup, broadcast over time
    u = jnp.take(uvcc_table, uvcc, axis=0)[:, None, :]
    u = jnp.tile(u, (1, t, 1))
    # rank embedding lookup per (batch, time)
    r = jnp.take(rank_table, rank, axis=0)
    return h + u + r

if __name__ == "__main__":
    import jax
    _d = setup_inputs()
    print(jax.jit(kernel)(*tuple(_d.values())))

</pallas_src>

<mosaic_0001>
#map = affine_map<(d0, d1) -> (0, 0)>
#map1 = affine_map<(d0, d1) -> (0)>
module attributes {stable_mosaic.version = 14 : i64} {
  func.func @gk(%arg0: i32, %arg1: i32, %arg2: memref<100001x128xf32, #tpu.memory_space<hbm>>, %arg3: memref<1024xi32, #tpu.memory_space<hbm>>, %arg4: memref<1024x128xf32, #tpu.memory_space<hbm>>, %arg5: memref<32xi32, #tpu.memory_space<vmem>>, %arg6: memref<32x128xf32, #tpu.memory_space<vmem>>, %arg7: memref<!tpu.dma_semaphore, #tpu.memory_space<semaphore_mem>>) attributes {dimension_semantics = [#tpu.dimension_semantics<core_parallel>, #tpu.dimension_semantics<subcore_parallel>], iteration_bounds = array<i64: 2, 16>, scalar_prefetch = 0 : i64, scratch_operands = 3 : i64, tpu.core_type = #tpu.core_type<sc_vector_subcore>, window_params = [{transform_indices = #map}, {transform_indices = #map1}, {transform_indices = #map}]} {
    %mul3A = arith.constant 2 : i32
    %mul3A_0 = arith.muli %arg1, %mul3A : i32
    %add3A = arith.addi %mul3A_0, %arg0 : i32
    %mul3A_1 = arith.constant 32 : i32
    %mul3A_2 = arith.muli %add3A, %mul3A_1 : i32
    "tpu.region"() ({
      %run_scoped3A = tpu.sem_alloc : memref<!tpu.dma_semaphore, #tpu.memory_space<semaphore_mem>>
      %dma_start3A_7 = tpu.memref_slice %arg3[%mul3A_2] : memref<1024xi32, #tpu.memory_space<hbm>> -> memref<32xi32, #tpu.memory_space<hbm>>
      %dma_start3A_8 = tpu.memref_slice %arg3[%mul3A_2] : memref<1024xi32, #tpu.memory_space<hbm>> -> memref<32xi32, #tpu.memory_space<hbm>>
      tpu.enqueue_dma source(%dma_start3A_8 : memref<32xi32, #tpu.memory_space<hbm>>) target(%arg5 : memref<32xi32, #tpu.memory_space<vmem>>) target_semaphore(%run_scoped3A : memref<!tpu.dma_semaphore, #tpu.memory_space<semaphore_mem>>)
      %dma_wait3A_9 = tpu.memref_slice %arg3[%mul3A_2] : memref<1024xi32, #tpu.memory_space<hbm>> -> memref<32xi32, #tpu.memory_space<hbm>>
      %dma_wait3A_10 = tpu.memref_slice %arg3[%mul3A_2] : memref<1024xi32, #tpu.memory_space<hbm>> -> memref<32xi32, #tpu.memory_space<hbm>>
      tpu.wait_dma2 semaphore(%run_scoped3A : memref<!tpu.dma_semaphore, #tpu.memory_space<semaphore_mem>>) src(%dma_wait3A_10 : memref<32xi32, #tpu.memory_space<hbm>>) dst(%arg5 : memref<32xi32, #tpu.memory_space<vmem>>)
      tpu.yield
    }) : () -> ()
    %dma_start3A = arith.constant 0 : i32
    %dma_start3A_3 = arith.constant 0 : i32
    %dma_start3A_4 = tpu.memref_slice %arg2[%dma_start3A, %dma_start3A_3] : memref<100001x128xf32, #tpu.memory_space<hbm>> -> memref<100001x128xf32, #tpu.memory_space<hbm>>
    tpu.enqueue_indirect_dma source(%dma_start3A_4 : memref<100001x128xf32, #tpu.memory_space<hbm>>) target(%arg6 : memref<32x128xf32, #tpu.memory_space<vmem>>) offsets(%arg5 : memref<32xi32, #tpu.memory_space<vmem>>) semaphore(%arg7 : memref<!tpu.dma_semaphore, #tpu.memory_space<semaphore_mem>>)
    %dma_wait3A = arith.constant 0 : i32
    %dma_wait3A_5 = arith.constant 0 : i32
    %dma_wait3A_6 = tpu.memref_slice %arg2[%dma_wait3A, %dma_wait3A_5] : memref<100001x128xf32, #tpu.memory_space<hbm>> -> memref<100001x128xf32, #tpu.memory_space<hbm>>
    tpu.wait_indirect_dma semaphore(%arg7 : memref<!tpu.dma_semaphore, #tpu.memory_space<semaphore_mem>>) src(%dma_wait3A_6 : memref<100001x128xf32, #tpu.memory_space<hbm>>) dst(%arg6 : memref<32x128xf32, #tpu.memory_space<vmem>>)
    "tpu.region"() ({
      %run_scoped3A = tpu.sem_alloc : memref<!tpu.dma_semaphore, #tpu.memory_space<semaphore_mem>>
      %dma_start3A_7 = arith.constant 0 : i32
      %dma_start3A_8 = tpu.memref_slice %arg4[%mul3A_2, %dma_start3A_7] : memref<1024x128xf32, #tpu.memory_space<hbm>> -> memref<32x128xf32, #tpu.memory_space<hbm>>
      %dma_start3A_9 = arith.constant 0 : i32
      %dma_start3A_10 = tpu.memref_slice %arg4[%mul3A_2, %dma_start3A_9] : memref<1024x128xf32, #tpu.memory_space<hbm>> -> memref<32x128xf32, #tpu.memory_space<hbm>>
      tpu.enqueue_dma source(%arg6 : memref<32x128xf32, #tpu.memory_space<vmem>>) target(%dma_start3A_10 : memref<32x128xf32, #tpu.memory_space<hbm>>) target_semaphore(%run_scoped3A : memref<!tpu.dma_semaphore, #tpu.memory_space<semaphore_mem>>)
      %dma_wait3A_11 = arith.constant 0 : i32
      %dma_wait3A_12 = tpu.memref_slice %arg4[%mul3A_2, %dma_wait3A_11] : memref<1024x128xf32, #tpu.memory_space<hbm>> -> memref<32x128xf32, #tpu.memory_space<hbm>>
      %dma_wait3A_13 = arith.constant 0 : i32
      %dma_wait3A_14 = tpu.memref_slice %arg4[%mul3A_2, %dma_wait3A_13] : memref<1024x128xf32, #tpu.memory_space<hbm>> -> memref<32x128xf32, #tpu.memory_space<hbm>>
      tpu.wait_dma2 semaphore(%run_scoped3A : memref<!tpu.dma_semaphore, #tpu.memory_space<semaphore_mem>>) src(%arg6 : memref<32x128xf32, #tpu.memory_space<vmem>>) dst(%dma_wait3A_14 : memref<32x128xf32, #tpu.memory_space<hbm>>)
      tpu.yield
    }) : () -> ()
    return
  }
}

module attributes {stable_mosaic.version = 14 : i64} {
  func.func @_stats_body(%arg0: i32, %arg1: memref<40x32x1024xf32, #tpu.memory_space<vmem>>, %arg2: memref<32x1024xf32, #tpu.memory_space<vmem>>, %arg3: memref<64x1xf32, #tpu.memory_space<vmem>>, %arg4: memref<64x1xf32, #tpu.memory_space<vmem>>, %arg5: memref<64x64xf32, #tpu.memory_space<vmem>>, %arg6: memref<64x1xf32, #tpu.memory_space<vmem>>, %arg7: memref<32x1xf32, #tpu.memory_space<vmem>>, %arg8: memref<64x1024xf32, #tpu.memory_space<vmem>>, %arg9: memref<64x1024xf32, #tpu.memory_space<vmem>>) attributes {dimension_semantics = [#tpu.dimension_semantics<arbitrary>], iteration_bounds = array<i64: 5>, scalar_prefetch = 0 : i64, scratch_operands = 1 : i64, tpu.core_type = #tpu.core_type<tc>, window_params = [{transform_indices = @transform_0, window_bounds = array<i64: 40, 32, 1024>}, {pipeline_mode = #tpu.pipeline_mode<synchronous>, transform_indices = @transform_1, window_bounds = array<i64: 32, 1024>}, {pipeline_mode = #tpu.pipeline_mode<synchronous>, transform_indices = @transform_2, window_bounds = array<i64: 64, 1>}, {pipeline_mode = #tpu.pipeline_mode<synchronous>, transform_indices = @transform_3, window_bounds = array<i64: 64, 1>}, {pipeline_mode = #tpu.pipeline_mode<synchronous>, transform_indices = @transform_4, window_bounds = array<i64: 64, 64>}, {pipeline_mode = #tpu.pipeline_mode<synchronous>, transform_indices = @transform_5, window_bounds = array<i64: 64, 1>}, {pipeline_mode = #tpu.pipeline_mode<synchronous>, transform_indices = @transform_6, window_bounds = array<i64: 32, 1>}, {pipeline_mode = #tpu.pipeline_mode<synchronous>, transform_indices = @transform_7, window_bounds = array<i64: 64, 1024>}]} {
    %eq3A = arith.constant 0 : i32
    %eq3A_0 = arith.cmpi eq, %arg0, %eq3A : i32
    %convert_element_type3A = arith.extui %eq3A_0 : i1 to i32
    %cond3A = arith.constant 0 : i32
    %cond3A_1 = arith.cmpi ne, %convert_element_type3A, %cond3A : i32
    scf.if %cond3A_1 {
      %broadcast_in_dim3A = arith.constant 0.000000e+00 : f32
      %broadcast_in_dim3A_25 = vector.broadcast %broadcast_in_dim3A : f32 to vector<64x1024xf32>
      %swap3A_26 = arith.constant 0 : index
      %swap3A_27 = arith.constant 0 : index
      %swap3A_28 = vector.load %arg9[%swap3A_26, %swap3A_27] : memref<64x1024xf32, #tpu.memory_space<vmem>>, vector<64x1024xf32>
      tpu.vector_store %arg9[%swap3A_26, %swap3A_27], %broadcast_in_dim3A_25 {strides = array<i32>} : memref<64x1024xf32, #tpu.memory_space<vmem>>, vector<64x1024xf32>,
    } else {
    }
    %get3A = arith.constant 0 : index
    %get3A_2 = arith.constant 0 : index
    %get3A_3 = arith.constant 0 : index
    %get3A_4 = vector.load %arg1[%get3A, %get3A_2, %get3A_3] : memref<40x32x1024xf32, #tpu.memory_space<vmem>>, vector<40x32x1024xf32>
    %get3A_5 = arith.constant 0 : index
    %get3A_6 = arith.constant 0 : index
    %get3A_7 = vector.load %arg9[%get3A_5, %get3A_6] : memref<64x1024xf32, #tpu.memory_space<vmem>>, vector<32x1024xf32>
    %reduce_sum3A = arith.constant dense<0.000000e+00> : vector<32x1024xf32>
    %reduce_sum3A_8 = vector.multi_reduction <add>, %get3A_4, %reduce_sum3A [0] : vector<40x32x1024xf32> to vector<32x1024xf32>
    %add3A = arith.addf %get3A_7, %reduce_sum3A_8 : vector<32x1024xf32>
    %swap3A = arith.constant 0 : index
    %swap3A_9 = arith.constant 0 : index
    %swap3A_10 = vector.load %arg9[%swap3A, %swap3A_9] : memref<64x1024xf32, #tpu.memory_space<vmem>>, vector<32x1024xf32>
    tpu.vector_store %arg9[%swap3A, %swap3A_9], %add3A {strides = array<i32>} : memref<64x1024xf32, #tpu.memory_space<vmem>>, vector<32x1024xf32>,
    %get3A_11 = arith.constant 32 : index
    %get3A_12 = arith.constant 0 : index
    %get3A_13 = vector.load %arg9[%get3A_11, %get3A_12] : memref<64x1024xf32, #tpu.memory_space<vmem>>, vector<32x1024xf32>
    %mul3A = arith.mulf %get3A_4, %get3A_4 : vector<40x32x1024xf32>
    %reduce_sum3A_14 = arith.constant dense<0.000000e+00> : vector<32x1024xf32>
    %reduce_sum3A_15 = vector.multi_reduction <add>, %mul3A, %reduce_sum3A_14 [0] : vector<40x32x1024xf32> to vector<32x1024xf32>
    %add3A_16 = arith.addf %get3A_13, %reduce_sum3A_15 : vector<32x1024xf32>
    %swap3A_17 = arith.constant 32 : index
    %swap3A_18 = arith.constant 0 : index
    %swap3A_19 = vector.load %arg9[%swap3A_17, %swap3A_18] : memref<64x1024xf32, #tpu.memory_space<vmem>>, vector<32x1024xf32>
    tpu.vector_store %arg9[%swap3A_17, %swap3A_18], %add3A_16 {strides = array<i32>} : memref<64x1024xf32, #tpu.memory_space<vmem>>, vector<32x1024xf32>,
    %eq3A_20 = arith.constant 4 : i32
    %eq3A_21 = arith.cmpi eq, %arg0, %eq3A_20 : i32
    %convert_element_type3A_22 = arith.extui %eq3A_21 : i1 to i32
    %cond3A_23 = arith.constant 0 : i32
    %cond3A_24 = arith.cmpi ne, %convert_element_type3A_22, %cond3A_23 : i32
    scf.if %cond3A_24 {
      %get3A_25 = arith.constant 0 : index
      %get3A_26 = arith.constant 0 : index
      %get3A_27 = vector.load %arg2[%get3A_25, %get3A_26] : memref<32x1024xf32, #tpu.memory_space<vmem>>, vector<32x1024xf32>
      %get3A_28 = arith.constant 0 : index
      %get3A_29 = arith.constant 0 : index
      %get3A_30 = vector.load %arg3[%get3A_28, %get3A_29] : memref<64x1xf32, #tpu.memory_space<vmem>>, vector<64x1xf32>
      %get3A_31 = arith.constant 0 : index
      %get3A_32 = arith.constant 0 : index
      %get3A_33 = vector.load %arg4[%get3A_31, %get3A_32] : memref<64x1xf32, #tpu.memory_space<vmem>>, vector<64x1xf32>
      %get3A_34 = arith.constant 0 : index
      %get3A_35 = arith.constant 0 : index
      %get3A_36 = vector.load %arg5[%get3A_34, %get3A_35] : memref<64x64xf32, #tpu.memory_space<vmem>>, vector<64x64xf32>
      %get3A_37 = arith.constant 0 : index
      %get3A_38 = arith.constant 0 : index
      %get3A_39 = vector.load %arg9[%get3A_37, %get3A_38] : memref<64x1024xf32, #tpu.memory_space<vmem>>, vector<32x1024xf32>
      %reduce_sum3A_40 = arith.constant dense<0.000000e+00> : vector<32xf32>
      %reduce_sum3A_41 = vector.multi_reduction <add>, %get3A_39, %reduce_sum3A_40 [1] : vector<32x1024xf32> to vector<32xf32>
      %broadcast_in_dim3A = vector.shape_cast %reduce_sum3A_41 : vector<32xf32> to vector<32x1xf32>
      %get3A_42 = arith.constant 32 : index
      %get3A_43 = arith.constant 0 : index
      %get3A_44 = vector.load %arg9[%get3A_42, %get3A_43] : memref<64x1024xf32, #tpu.memory_space<vmem>>, vector<32x1024xf32>
      %reduce_sum3A_45 = arith.constant dense<0.000000e+00> : vector<32xf32>
      %reduce_sum3A_46 = vector.multi_reduction <add>, %get3A_44, %reduce_sum3A_45 [1] : vector<32x1024xf32> to vector<32xf32>
      %broadcast_in_dim3A_47 = vector.shape_cast %reduce_sum3A_46 : vector<32xf32> to vector<32x1xf32>
      %div3A = arith.constant 2.048000e+05 : f32
      %div3A_48 = vector.broadcast %div3A : f32 to vector<32x1xf32>
      %div3A_49 = arith.divf %broadcast_in_dim3A, %div3A_48 : vector<32x1xf32>
      %div3A_50 = arith.constant 2.048000e+05 : f32
      %div3A_51 = vector.broadcast %div3A_50 : f32 to vector<32x1xf32>
      %div3A_52 = arith.divf %broadcast_in_dim3A_47, %div3A_51 : vector<32x1xf32>
      %mul3A_53 = arith.mulf %div3A_49, %div3A_49 : vector<32x1xf32>
      %sub3A = arith.subf %div3A_52, %mul3A_53 : vector<32x1xf32>
      %reduce_sum3A_54 = arith.constant dense<0.000000e+00> : vector<32xf32>
      %reduce_sum3A_55 = vector.multi_reduction <add>, %get3A_27, %reduce_sum3A_54 [1] : vector<32x1024xf32> to vector<32xf32>
      %broadcast_in_dim3A_56 = vector.shape_cast %reduce_sum3A_55 : vector<32xf32> to vector<32x1xf32>
      %div3A_57 = arith.constant 1.024000e+03 : f32
      %div3A_58 = vector.broadcast %div3A_57 : f32 to vector<32x1xf32>
      %div3A_59 = arith.divf %broadcast_in_dim3A_56, %div3A_58 : vector<32x1xf32>
      %mul3A_60 = arith.mulf %get3A_27, %get3A_27 : vector<32x1024xf32>
      %reduce_sum3A_61 = arith.constant dense<0.000000e+00> : vector<32xf32>
      %reduce_sum3A_62 = vector.multi_reduction <add>, %mul3A_60, %reduce_sum3A_61 [1] : vector<32x1024xf32> to vector<32xf32>
      %broadcast_in_dim3A_63 = vector.shape_cast %reduce_sum3A_62 : vector<32xf32> to vector<32x1xf32>
      %div3A_64 = arith.constant 1.024000e+03 : f32
      %div3A_65 = vector.broadcast %div3A_64 : f32 to vector<32x1xf32>
      %div3A_66 = arith.divf %broadcast_in_dim3A_63, %div3A_65 : vector<32x1xf32>
      %mul3A_67 = arith.mulf %div3A_59, %div3A_59 : vector<32x1xf32>
      %sub3A_68 = arith.subf %div3A_66, %mul3A_67 : vector<32x1xf32>
      %slice3A = vector.extract_strided_slice %get3A_30 {offsets = [0, 0], sizes = [32, 1], strides = [1, 1]} : vector<64x1xf32> to vector<32x1xf32>
      %add3A_69 = arith.constant 1.000000e-03 : f32
      %add3A_70 = vector.broadcast %add3A_69 : f32 to vector<32x1xf32>
      %add3A_71 = arith.addf %sub3A, %add3A_70 : vector<32x1xf32>
      %rsqrt3A = math.rsqrt %add3A_71 : vector<32x1xf32>
      %mul3A_72 = arith.mulf %slice3A, %rsqrt3A : vector<32x1xf32>
      %slice3A_73 = vector.extract_strided_slice %get3A_30 {offsets = [32, 0], sizes = [32, 1], strides = [1, 1]} : vector<64x1xf32> to vector<32x1xf32>
      %add3A_74 = arith.constant 1.000000e-03 : f32
      %add3A_75 = vector.broadcast %add3A_74 : f32 to vector<32x1xf32>
      %add3A_76 = arith.addf %sub3A_68, %add3A_75 : vector<32x1xf32>
      %rsqrt3A_77 = math.rsqrt %add3A_76 : vector<32x1xf32>
      %mul3A_78 = arith.mulf %slice3A_73, %rsqrt3A_77 : vector<32x1xf32>
      %slice3A_79 = vector.extract_strided_slice %get3A_33 {offsets = [0, 0], sizes = [32, 1], strides = [1, 1]} : vector<64x1xf32> to vector<32x1xf32>
      %mul3A_80 = arith.mulf %div3A_49, %mul3A_72 : vector<32x1xf32>
      %sub3A_81 = arith.subf %slice3A_79, %mul3A_80 : vector<32x1xf32>
      %slice3A_82 = vector.extract_strided_slice %get3A_33 {offsets = [32, 0], sizes = [32, 1], strides = [1, 1]} : vector<64x1xf32> to vector<32x1xf32>
      %mul3A_83 = arith.mulf %div3A_59, %mul3A_78 : vector<32x1xf32>
      %sub3A_84 = arith.subf %slice3A_82, %mul3A_83 : vector<32x1xf32>
      %slice3A_85 = vector.extract_strided_slice %get3A_36 {offsets = [0, 0], sizes = [64, 32], strides = [1, 1]} : vector<64x64xf32> to vector<64x32xf32>
      %dot_general3A = arith.constant dense<0.000000e+00> : vector<64x1xf32>
      %dot_general3A_86 = tpu.matmul %slice3A_85, %sub3A_81, %dot_general3A {dimension_numbers = #tpu.dot_dimension_numbers<[1], [0], [0], [1], [0, 0, 1, 1], [], []>, transpose_lhs_hint = false} : vector<64x32xf32>, vector<32x1xf32>, vector<64x1xf32> -> vector<64x1xf32>
      %slice3A_87 = vector.extract_strided_slice %get3A_36 {offsets = [0, 32], sizes = [64, 32], strides = [1, 1]} : vector<64x64xf32> to vector<64x32xf32>
      %dot_general3A_88 = arith.constant dense<0.000000e+00> : vector<64x1xf32>
      %dot_general3A_89 = tpu.matmul %slice3A_87, %sub3A_84, %dot_general3A_88 {dimension_numbers = #tpu.dot_dimension_numbers<[1], [0], [0], [1], [0, 0, 1, 1], [], []>, transpose_lhs_hint = false} : vector<64x32xf32>, vector<32x1xf32>, vector<64x1xf32> -> vector<64x1xf32>
      %add3A_90 = arith.addf %dot_general3A_86, %dot_general3A_89 : vector<64x1xf32>
      %get3A_91 = arith.constant 0 : index
      %get3A_92 = arith.constant 0 : index
      %get3A_93 = vector.load %arg6[%get3A_91, %get3A_92] : memref<64x1xf32, #tpu.memory_space<vmem>>, vector<64x1xf32>
      %add3A_94 = arith.addf %add3A_90, %get3A_93 : vector<64x1xf32>
      %mul3A_95 = vector.broadcast %mul3A_78 : vector<32x1xf32> to vector<32x1024xf32>
      %mul3A_96 = arith.mulf %get3A_27, %mul3A_95 : vector<32x1024xf32>
      %convert_element_type3A_97 = arith.truncf %mul3A_96 : vector<32x1024xf32> to vector<32x1024xbf16>
      %slice3A_98 = vector.extract_strided_slice %get3A_36 {offsets = [0, 32], sizes = [64, 32], strides = [1, 1]} : vector<64x64xf32> to vector<64x32xf32>
      %convert_element_type3A_99 = arith.truncf %slice3A_98 : vector<64x32xf32> to vector<64x32xbf16>
      %dot_general3A_100 = arith.constant dense<0.000000e+00> : vector<64x1024xf32>
      %dot_general3A_101 = tpu.matmul %convert_element_type3A_99, %convert_element_type3A_97, %dot_general3A_100 {dimension_numbers = #tpu.dot_dimension_numbers<[1], [0], [0], [1], [0, 0, 1, 1], [], []>, transpose_lhs_hint = false} : vector<64x32xbf16>, vector<32x1024xbf16>, vector<64x1024xf32> -> vector<64x1024xf32>
      %add3A_102 = vector.broadcast %add3A_94 : vector<64x1xf32> to vector<64x1024xf32>
      %add3A_103 = arith.addf %dot_general3A_101, %add3A_102 : vector<64x1024xf32>
      %swap3A_104 = arith.constant 0 : index
      %swap3A_105 = arith.constant 0 : index
      %swap3A_106 = vector.load %arg8[%swap3A_104, %swap3A_105] : memref<64x1024xf32, #tpu.memory_space<vmem>>, vector<64x1024xf32>
      tpu.vector_store %arg8[%swap3A_104, %swap3A_105], %add3A_103 {strides = array<i32>} : memref<64x1024xf32, #tpu.memory_space<vmem>>, vector<64x1024xf32>,
      %swap3A_107 = arith.constant 0 : index
      %swap3A_108 = arith.constant 0 : index
      %swap3A_109 = vector.load %arg7[%swap3A_107, %swap3A_108] : memref<32x1xf32, #tpu.memory_space<vmem>>, vector<32x1xf32>
      tpu.vector_store %arg7[%swap3A_107, %swap3A_108], %mul3A_72 {strides = array<i32>} : memref<32x1xf32, #tpu.memory_space<vmem>>, vector<32x1xf32>,
    } else {
    }
    return
  }
  func.func @transform_0(%arg0: i32) -> (i32, i32, i32) {
    %c0_i32 = arith.constant 0 : i32
    %c0_i32_0 = arith.constant 0 : i32
    %c0_i32_1 = arith.constant 0 : i32
    return %arg0, %c0_i32, %c0_i32_0 : i32, i32, i32
  }
  func.func @transform_1(%arg0: i32) -> (i32, i32) {
    %c0_i32 = arith.constant 0 : i32
    %c0_i32_0 = arith.constant 0 : i32
    %c0_i32_1 = arith.constant 0 : i32
    return %c0_i32, %c0_i32_0 : i32, i32
  }
  func.func @transform_2(%arg0: i32) -> (i32, i32) {
    %c0_i32 = arith.constant 0 : i32
    %c0_i32_0 = arith.constant 0 : i32
    %c0_i32_1 = arith.constant 0 : i32
    return %c0_i32, %c0_i32_0 : i32, i32
  }
  func.func @transform_3(%arg0: i32) -> (i32, i32) {
    %c0_i32 = arith.constant 0 : i32
    %c0_i32_0 = arith.constant 0 : i32
    %c0_i32_1 = arith.constant 0 : i32
    return %c0_i32, %c0_i32_0 : i32, i32
  }
  func.func @transform_4(%arg0: i32) -> (i32, i32) {
    %c0_i32 = arith.constant 0 : i32
    %c0_i32_0 = arith.constant 0 : i32
    %c0_i32_1 = arith.constant 0 : i32
    return %c0_i32, %c0_i32_0 : i32, i32
  }
  func.func @transform_5(%arg0: i32) -> (i32, i32) {
    %c0_i32 = arith.constant 0 : i32
    %c0_i32_0 = arith.constant 0 : i32
    %c0_i32_1 = arith.constant 0 : i32
    return %c0_i32, %c0_i32_0 : i32, i32
  }
  func.func @transform_6(%arg0: i32) -> (i32, i32) {
    %c0_i32 = arith.constant 0 : i32
    %c0_i32_0 = arith.constant 0 : i32
    %c0_i32_1 = arith.constant 0 : i32
    return %c0_i32, %c0_i32_0 : i32, i32
  }
  func.func @transform_7(%arg0: i32) -> (i32, i32) {
    %c0_i32 = arith.constant 0 : i32
    %c0_i32_0 = arith.constant 0 : i32
    %c0_i32_1 = arith.constant 0 : i32
    return %c0_i32, %c0_i32_0 : i32, i32
  }
}

module attributes {stable_mosaic.version = 14 : i64} {
  func.func @_tpad_body(%arg0: i32, %arg1: memref<64x8192xf32, #tpu.memory_space<vmem>>, %arg2: memref<8192x128xf32, #tpu.memory_space<vmem>>) attributes {dimension_semantics = [#tpu.dimension_semantics<arbitrary>], iteration_bounds = array<i64: 13>, scalar_prefetch = 0 : i64, scratch_operands = 0 : i64, tpu.core_type = #tpu.core_type<tc>, window_params = [{transform_indices = @transform_0, window_bounds = array<i64: 64, 8192>}, {transform_indices = @transform_1, window_bounds = array<i64: 8192, 128>}]} {
    %get3A = arith.constant 0 : index
    %get3A_0 = arith.constant 0 : index
    %get3A_1 = vector.load %arg1[%get3A, %get3A_0] : memref<64x8192xf32, #tpu.memory_space<vmem>>, vector<64x8192xf32>
    %transpose3A = tpu.transpose %get3A_1, [1, 0] : vector<64x8192xf32> -> vector<8192x64xf32>
    %broadcast_in_dim3A = arith.constant 0.000000e+00 : f32
    %broadcast_in_dim3A_2 = vector.broadcast %broadcast_in_dim3A : f32 to vector<8192x64xf32>
    %concatenate3A = tpu.concatenate %transpose3A, %broadcast_in_dim3A_2 in 1 : vector<8192x64xf32>, vector<8192x64xf32> -> vector<8192x128xf32>
    %swap3A = arith.constant 0 : index
    %swap3A_3 = arith.constant 0 : index
    %swap3A_4 = vector.load %arg2[%swap3A, %swap3A_3] : memref<8192x128xf32, #tpu.memory_space<vmem>>, vector<8192x128xf32>
    tpu.vector_store %arg2[%swap3A, %swap3A_3], %concatenate3A {strides = array<i32>} : memref<8192x128xf32, #tpu.memory_space<vmem>>, vector<8192x128xf32>,
    return
  }
  func.func @transform_0(%arg0: i32) -> (i32, i32) {
    %c0_i32 = arith.constant 0 : i32
    %c0_i32_0 = arith.constant 0 : i32
    return %c0_i32, %arg0 : i32, i32
  }
  func.func @transform_1(%arg0: i32) -> (i32, i32) {
    %c0_i32 = arith.constant 0 : i32
    %c0_i32_0 = arith.constant 0 : i32
    return %arg0, %c0_i32 : i32, i32
  }
}

module attributes {stable_mosaic.version = 14 : i64} {
  func.func @_main_body(%arg0: i32, %arg1: memref<40x32x1024xf32, #tpu.memory_space<vmem>>, %arg2: memref<40x1024xi32, #tpu.memory_space<vmem>>, %arg3: memref<64x1024xf32, #tpu.memory_space<vmem>>, %arg4: memref<64x1024xf32, #tpu.memory_space<vmem>>, %arg5: memref<32x1xf32, #tpu.memory_space<vmem>>, %arg6: memref<64x64xf32, #tpu.memory_space<vmem>>, %arg7: memref<64x208xbf16, #tpu.memory_space<vmem>>, %arg8: memref<40x64x1024xf32, #tpu.memory_space<vmem>>) attributes {dimension_semantics = [#tpu.dimension_semantics<arbitrary>], iteration_bounds = array<i64: 5>, scalar_prefetch = 0 : i64, scratch_operands = 0 : i64, tpu.core_type = #tpu.core_type<tc>, window_params = [{transform_indices = @transform_0, window_bounds = array<i64: 40, 32, 1024>}, {transform_indices = @transform_1, window_bounds = array<i64: 40, 1024>}, {pipeline_mode = #tpu.pipeline_mode<synchronous>, transform_indices = @transform_2, window_bounds = array<i64: 64, 1024>}, {pipeline_mode = #tpu.pipeline_mode<synchronous>, transform_indices = @transform_3, window_bounds = array<i64: 64, 1024>}, {pipeline_mode = #tpu.pipeline_mode<synchronous>, transform_indices = @transform_4, window_bounds = array<i64: 32, 1>}, {pipeline_mode = #tpu.pipeline_mode<synchronous>, transform_indices = @transform_5, window_bounds = array<i64: 64, 64>}, {pipeline_mode = #tpu.pipeline_mode<synchronous>, transform_indices = @transform_6, window_bounds = array<i64: 64, 208>}, {transform_indices = @transform_7, window_bounds = array<i64: 40, 64, 1024>}]} {
    %get3A = arith.constant 0 : index
    %get3A_0 = arith.constant 0 : index
    %get3A_1 = arith.constant 0 : index
    %get3A_2 = vector.load %arg1[%get3A, %get3A_0, %get3A_1] : memref<40x32x1024xf32, #tpu.memory_space<vmem>>, vector<40x32x1024xf32>
    %get3A_3 = arith.constant 0 : index
    %get3A_4 = arith.constant 0 : index
    %get3A_5 = vector.load %arg5[%get3A_3, %get3A_4] : memref<32x1xf32, #tpu.memory_space<vmem>>, vector<32x1xf32>
    %broadcast_in_dim3A = vector.shape_cast %get3A_5 : vector<32x1xf32> to vector<1x32x1xf32>
    %mul3A = vector.broadcast %broadcast_in_dim3A : vector<1x32x1xf32> to vector<40x32x1024xf32>
    %mul3A_6 = arith.mulf %get3A_2, %mul3A : vector<40x32x1024xf32>
    %convert_element_type3A = arith.truncf %mul3A_6 : vector<40x32x1024xf32> to vector<40x32x1024xbf16>
    %get3A_7 = arith.constant 0 : index
    %get3A_8 = arith.constant 0 : index
    %get3A_9 = vector.load %arg6[%get3A_7, %get3A_8] : memref<64x64xf32, #tpu.memory_space<vmem>>, vector<64x64xf32>
    %slice3A = vector.extract_strided_slice %get3A_9 {offsets = [0, 0], sizes = [64, 32], strides = [1, 1]} : vector<64x64xf32> to vector<64x32xf32>
    %convert_element_type3A_10 = arith.truncf %slice3A : vector<64x32xf32> to vector<64x32xbf16>
    %get3A_11 = arith.constant 0 : index
    %get3A_12 = arith.constant 0 : index
    %get3A_13 = vector.load %arg7[%get3A_11, %get3A_12] : memref<64x208xbf16, #tpu.memory_space<vmem>>, vector<64x208xbf16>
    %get3A_14 = arith.constant 0 : index
    %get3A_15 = arith.constant 0 : index
    %get3A_16 = vector.load %arg2[%get3A_14, %get3A_15] : memref<40x1024xi32, #tpu.memory_space<vmem>>, vector<40x1024xi32>
    %iota3A = tpu.iota {dimensions = array<i32: 0>} : vector<208x1024xi32>
    %get3A_17 = arith.constant 0 : index
    %get3A_18 = arith.constant 0 : index
    %get3A_19 = vector.load %arg3[%get3A_17, %get3A_18] : memref<64x1024xf32, #tpu.memory_space<vmem>>, vector<64x1024xf32>
    %get3A_20 = arith.constant 0 : index
    %get3A_21 = arith.constant 0 : index
    %get3A_22 = vector.load %arg4[%get3A_20, %get3A_21] : memref<64x1024xf32, #tpu.memory_space<vmem>>, vector<64x1024xf32>
    %add3A = arith.addf %get3A_19, %get3A_22 : vector<64x1024xf32>
    %concatenate3A = tpu.concatenate %convert_element_type3A_10, %get3A_13 in 1 : vector<64x32xbf16>, vector<64x208xbf16> -> vector<64x240xbf16>
    %slice3A_23 = vector.extract_strided_slice %get3A_16 {offsets = [0, 0], sizes = [1, 1024], strides = [1, 1]} : vector<40x1024xi32> to vector<1x1024xi32>
    %broadcast_in_dim3A_24 = vector.shape_cast %slice3A_23 : vector<1x1024xi32> to vector<1x1024xi32>
    %broadcast_in_dim3A_25 = vector.broadcast %broadcast_in_dim3A_24 : vector<1x1024xi32> to vector<208x1024xi32>
    %eq3A = arith.cmpi eq, %broadcast_in_dim3A_25, %iota3A : vector<208x1024xi32>
    %slice3A_26 = vector.extract_strided_slice %convert_element_type3A {offsets = [0, 0, 0], sizes = [1, 32, 1024], strides = [1, 1, 1]} : vector<40x32x1024xbf16> to vector<1x32x1024xbf16>
    %squeeze3A = vector.shape_cast %slice3A_26 : vector<1x32x1024xbf16> to vector<32x1024xbf16>
    %convert_element_type3A_27 = arith.extui %eq3A : vector<208x1024xi1> to vector<208x1024xi32>
    %convert_element_type3A_28 = arith.sitofp %convert_element_type3A_27 : vector<208x1024xi32> to vector<208x1024xf32>
    %convert_element_type3A_29 = arith.truncf %convert_element_type3A_28 : vector<208x1024xf32> to vector<208x1024xbf16>
    %concatenate3A_30 = tpu.concatenate %squeeze3A, %convert_element_type3A_29 in 0 : vector<32x1024xbf16>, vector<208x1024xbf16> -> vector<240x1024xbf16>
    %dot_general3A = arith.constant dense<0.000000e+00> : vector<64x1024xf32>
    %dot_general3A_31 = tpu.matmul %concatenate3A, %concatenate3A_30, %dot_general3A {dimension_numbers = #tpu.dot_dimension_numbers<[1], [0], [0], [1], [0, 0, 1, 1], [], []>, transpose_lhs_hint = false} : vector<64x240xbf16>, vector<240x1024xbf16>, vector<64x1024xf32> -> vector<64x1024xf32>
    %add3A_32 = arith.addf %dot_general3A_31, %add3A : vector<64x1024xf32>
    %swap3A = arith.constant 0 : index
    %swap3A_33 = arith.constant 0 : index
    %swap3A_34 = arith.constant 0 : index
    %swap3A_35 = vector.load %arg8[%swap3A, %swap3A_33, %swap3A_34] : memref<40x64x1024xf32, #tpu.memory_space<vmem>>, vector<1x64x1024xf32>
    %swap3A_36 = vector.shape_cast %swap3A_35 : vector<1x64x1024xf32> to vector<64x1024xf32>
    %swap3A_37 = vector.shape_cast %add3A_32 : vector<64x1024xf32> to vector<1x64x1024xf32>
    tpu.vector_store %arg8[%swap3A, %swap3A_33, %swap3A_34], %swap3A_37 {strides = array<i32>} : memref<40x64x1024xf32, #tpu.memory_space<vmem>>, vector<1x64x1024xf32>,
    %slice3A_38 = vector.extract_strided_slice %get3A_16 {offsets = [1, 0], sizes = [1, 1024], strides = [1, 1]} : vector<40x1024xi32> to vector<1x1024xi32>
    %broadcast_in_dim3A_39 = vector.shape_cast %slice3A_38 : vector<1x1024xi32> to vector<1x1024xi32>
    %broadcast_in_dim3A_40 = vector.broadcast %broadcast_in_dim3A_39 : vector<1x1024xi32> to vector<208x1024xi32>
    %eq3A_41 = arith.cmpi eq, %broadcast_in_dim3A_40, %iota3A : vector<208x1024xi32>
    %slice3A_42 = vector.extract_strided_slice %convert_element_type3A {offsets = [1, 0, 0], sizes = [1, 32, 1024], strides = [1, 1, 1]} : vector<40x32x1024xbf16> to vector<1x32x1024xbf16>
    %squeeze3A_43 = vector.shape_cast %slice3A_42 : vector<1x32x1024xbf16> to vector<32x1024xbf16>
    %convert_element_type3A_44 = arith.extui %eq3A_41 : vector<208x1024xi1> to vector<208x1024xi32>
    %convert_element_type3A_45 = arith.sitofp %convert_element_type3A_44 : vector<208x1024xi32> to vector<208x1024xf32>
    %convert_element_type3A_46 = arith.truncf %convert_element_type3A_45 : vector<208x1024xf32> to vector<208x1024xbf16>
    %concatenate3A_47 = tpu.concatenate %squeeze3A_43, %convert_element_type3A_46 in 0 : vector<32x1024xbf16>, vector<208x1024xbf16> -> vector<240x1024xbf16>
    %dot_general3A_48 = arith.constant dense<0.000000e+00> : vector<64x1024xf32>
    %dot_general3A_49 = tpu.matmul %concatenate3A, %concatenate3A_47, %dot_general3A_48 {dimension_numbers = #tpu.dot_dimension_numbers<[1], [0], [0], [1], [0, 0, 1, 1], [], []>, transpose_lhs_hint = false} : vector<64x240xbf16>, vector<240x1024xbf16>, vector<64x1024xf32> -> vector<64x1024xf32>
    %add3A_50 = arith.addf %dot_general3A_49, %add3A : vector<64x1024xf32>
    %swap3A_51 = arith.constant 1 : index
    %swap3A_52 = arith.constant 0 : index
    %swap3A_53 = arith.constant 0 : index
    %swap3A_54 = vector.load %arg8[%swap3A_51, %swap3A_52, %swap3A_53] : memref<40x64x1024xf32, #tpu.memory_space<vmem>>, vector<1x64x1024xf32>
    %swap3A_55 = vector.shape_cast %swap3A_54 : vector<1x64x1024xf32> to vector<64x1024xf32>
    %swap3A_56 = vector.shape_cast %add3A_50 : vector<64x1024xf32> to vector<1x64x1024xf32>
    tpu.vector_store %arg8[%swap3A_51, %swap3A_52, %swap3A_53], %swap3A_56 {strides = array<i32>} : memref<40x64x1024xf32, #tpu.memory_space<vmem>>, vector<1x64x1024xf32>,
    %slice3A_57 = vector.extract_strided_slice %get3A_16 {offsets = [2, 0], sizes = [1, 1024], strides = [1, 1]} : vector<40x1024xi32> to vector<1x1024xi32>
    %broadcast_in_dim3A_58 = vector.shape_cast %slice3A_57 : vector<1x1024xi32> to vector<1x1024xi32>
    %broadcast_in_dim3A_59 = vector.broadcast %broadcast_in_dim3A_58 : vector<1x1024xi32> to vector<208x1024xi32>
    %eq3A_60 = arith.cmpi eq, %broadcast_in_dim3A_59, %iota3A : vector<208x1024xi32>
    %slice3A_61 = vector.extract_strided_slice %convert_element_type3A {offsets = [2, 0, 0], sizes = [1, 32, 1024], strides = [1, 1, 1]} : vector<40x32x1024xbf16> to vector<1x32x1024xbf16>
    %squeeze3A_62 = vector.shape_cast %slice3A_61 : vector<1x32x1024xbf16> to vector<32x1024xbf16>
    %convert_element_type3A_63 = arith.extui %eq3A_60 : vector<208x1024xi1> to vector<208x1024xi32>
    %convert_element_type3A_64 = arith.sitofp %convert_element_type3A_63 : vector<208x1024xi32> to vector<208x1024xf32>
    %convert_element_type3A_65 = arith.truncf %convert_element_type3A_64 : vector<208x1024xf32> to vector<208x1024xbf16>
    %concatenate3A_66 = tpu.concatenate %squeeze3A_62, %convert_element_type3A_65 in 0 : vector<32x1024xbf16>, vector<208x1024xbf16> -> vector<240x1024xbf16>
    %dot_general3A_67 = arith.constant dense<0.000000e+00> : vector<64x1024xf32>
    %dot_general3A_68 = tpu.matmul %concatenate3A, %concatenate3A_66, %dot_general3A_67 {dimension_numbers = #tpu.dot_dimension_numbers<[1], [0], [0], [1], [0, 0, 1, 1], [], []>, transpose_lhs_hint = false} : vector<64x240xbf16>, vector<240x1024xbf16>, vector<64x1024xf32> -> vector<64x1024xf32>
    %add3A_69 = arith.addf %dot_general3A_68, %add3A : vector<64x1024xf32>
    %swap3A_70 = arith.constant 2 : index
    %swap3A_71 = arith.constant 0 : index
    %swap3A_72 = arith.constant 0 : index
    %swap3A_73 = vector.load %arg8[%swap3A_70, %swap3A_71, %swap3A_72] : memref<40x64x1024xf32, #tpu.memory_space<vmem>>, vector<1x64x1024xf32>
    %swap3A_74 = vector.shape_cast %swap3A_73 : vector<1x64x1024xf32> to vector<64x1024xf32>
    %swap3A_75 = vector.shape_cast %add3A_69 : vector<64x1024xf32> to vector<1x64x1024xf32>
    tpu.vector_store %arg8[%swap3A_70, %swap3A_71, %swap3A_72], %swap3A_75 {strides = array<i32>} : memref<40x64x1024xf32, #tpu.memory_space<vmem>>, vector<1x64x1024xf32>,
    %slice3A_76 = vector.extract_strided_slice %get3A_16 {offsets = [3, 0], sizes = [1, 1024], strides = [1, 1]} : vector<40x1024xi32> to vector<1x1024xi32>
    %broadcast_in_dim3A_77 = vector.shape_cast %slice3A_76 : vector<1x1024xi32> to vector<1x1024xi32>
    %broadcast_in_dim3A_78 = vector.broadcast %broadcast_in_dim3A_77 : vector<1x1024xi32> to vector<208x1024xi32>
    %eq3A_79 = arith.cmpi eq, %broadcast_in_dim3A_78, %iota3A : vector<208x1024xi32>
    %slice3A_80 = vector.extract_strided_slice %convert_element_type3A {offsets = [3, 0, 0], sizes = [1, 32, 1024], strides = [1, 1, 1]} : vector<40x32x1024xbf16> to vector<1x32x1024xbf16>
    %squeeze3A_81 = vector.shape_cast %slice3A_80 : vector<1x32x1024xbf16> to vector<32x1024xbf16>
    %convert_element_type3A_82 = arith.extui %eq3A_79 : vector<208x1024xi1> to vector<208x1024xi32>
    %convert_element_type3A_83 = arith.sitofp %convert_element_type3A_82 : vector<208x1024xi32> to vector<208x1024xf32>
    %convert_element_type3A_84 = arith.truncf %convert_element_type3A_83 : vector<208x1024xf32> to vector<208x1024xbf16>
    %concatenate3A_85 = tpu.concatenate %squeeze3A_81, %convert_element_type3A_84 in 0 : vector<32x1024xbf16>, vector<208x1024xbf16> -> vector<240x1024xbf16>
    %dot_general3A_86 = arith.constant dense<0.000000e+00> : vector<64x1024xf32>
    %dot_general3A_87 = tpu.matmul %concatenate3A, %concatenate3A_85, %dot_general3A_86 {dimension_numbers = #tpu.dot_dimension_numbers<[1], [0], [0], [1], [0, 0, 1, 1], [], []>, transpose_lhs_hint = false} : vector<64x240xbf16>, vector<240x1024xbf16>, vector<64x1024xf32> -> vector<64x1024xf32>
    %add3A_88 = arith.addf %dot_general3A_87, %add3A : vector<64x1024xf32>
    %swap3A_89 = arith.constant 3 : index
    %swap3A_90 = arith.constant 0 : index
    %swap3A_91 = arith.constant 0 : index
    %swap3A_92 = vector.load %arg8[%swap3A_89, %swap3A_90, %swap3A_91] : memref<40x64x1024xf32, #tpu.memory_space<vmem>>, vector<1x64x1024xf32>
    %swap3A_93 = vector.shape_cast %swap3A_92 : vector<1x64x1024xf32> to vector<64x1024xf32>
    %swap3A_94 = vector.shape_cast %add3A_88 : vector<64x1024xf32> to vector<1x64x1024xf32>
    tpu.vector_store %arg8[%swap3A_89, %swap3A_90, %swap3A_91], %swap3A_94 {strides = array<i32>} : memref<40x64x1024xf32, #tpu.memory_space<vmem>>, vector<1x64x1024xf32>,
    %slice3A_95 = vector.extract_strided_slice %get3A_16 {offsets = [4, 0], sizes = [1, 1024], strides = [1, 1]} : vector<40x1024xi32> to vector<1x1024xi32>
    %broadcast_in_dim3A_96 = vector.shape_cast %slice3A_95 : vector<1x1024xi32> to vector<1x1024xi32>
    %broadcast_in_dim3A_97 = vector.broadcast %broadcast_in_dim3A_96 : vector<1x1024xi32> to vector<208x1024xi32>
    %eq3A_98 = arith.cmpi eq, %broadcast_in_dim3A_97, %iota3A : vector<208x1024xi32>
    %slice3A_99 = vector.extract_strided_slice %convert_element_type3A {offsets = [4, 0, 0], sizes = [1, 32, 1024], strides = [1, 1, 1]} : vector<40x32x1024xbf16> to vector<1x32x1024xbf16>
    %squeeze3A_100 = vector.shape_cast %slice3A_99 : vector<1x32x1024xbf16> to vector<32x1024xbf16>
    %convert_element_type3A_101 = arith.extui %eq3A_98 : vector<208x1024xi1> to vector<208x1024xi32>
    %convert_element_type3A_102 = arith.sitofp %convert_element_type3A_101 : vector<208x1024xi32> to vector<208x1024xf32>
    %convert_element_type3A_103 = arith.truncf %convert_element_type3A_102 : vector<208x1024xf32> to vector<208x1024xbf16>
    %concatenate3A_104 = tpu.concatenate %squeeze3A_100, %convert_element_type3A_103 in 0 : vector<32x1024xbf16>, vector<208x1024xbf16> -> vector<240x1024xbf16>
    %dot_general3A_105 = arith.constant dense<0.000000e+00> : vector<64x1024xf32>
    %dot_general3A_106 = tpu.matmul %concatenate3A, %concatenate3A_104, %dot_general3A_105 {dimension_numbers = #tpu.dot_dimension_numbers<[1], [0], [0], [1], [0, 0, 1, 1], [], []>, transpose_lhs_hint = false} : vector<64x240xbf16>, vector<240x1024xbf16>, vector<64x1024xf32> -> vector<64x1024xf32>
    %add3A_107 = arith.addf %dot_general3A_106, %add3A : vector<64x1024xf32>
    %swap3A_108 = arith.constant 4 : index
    %swap3A_109 = arith.constant 0 : index
    %swap3A_110 = arith.constant 0 : index
    %swap3A_111 = vector.load %arg8[%swap3A_108, %swap3A_109, %swap3A_110] : memref<40x64x1024xf32, #tpu.memory_space<vmem>>, vector<1x64x1024xf32>
    %swap3A_112 = vector.shape_cast %swap3A_111 : vector<1x64x1024xf32> to vector<64x1024xf32>
    %swap3A_113 = vector.shape_cast %add3A_107 : vector<64x1024xf32> to vector<1x64x1024xf32>
    tpu.vector_store %arg8[%swap3A_108, %swap3A_109, %swap3A_110], %swap3A_113 {strides = array<i32>} : memref<40x64x1024xf32, #tpu.memory_space<vmem>>, vector<1x64x1024xf32>,
    %slice3A_114 = vector.extract_strided_slice %get3A_16 {offsets = [5, 0], sizes = [1, 1024], strides = [1, 1]} : vector<40x1024xi32> to vector<1x1024xi32>
    %broadcast_in_dim3A_115 = vector.shape_cast %slice3A_114 : vector<1x1024xi32> to vector<1x1024xi32>
    %broadcast_in_dim3A_116 = vector.broadcast %broadcast_in_dim3A_115 : vector<1x1024xi32> to vector<208x1024xi32>
    %eq3A_117 = arith.cmpi eq, %broadcast_in_dim3A_116, %iota3A : vector<208x1024xi32>
    %slice3A_118 = vector.extract_strided_slice %convert_element_type3A {offsets = [5, 0, 0], sizes = [1, 32, 1024], strides = [1, 1, 1]} : vector<40x32x1024xbf16> to vector<1x32x1024xbf16>
    %squeeze3A_119 = vector.shape_cast %slice3A_118 : vector<1x32x1024xbf16> to vector<32x1024xbf16>
    %convert_element_type3A_120 = arith.extui %eq3A_117 : vector<208x1024xi1> to vector<208x1024xi32>
    %convert_element_type3A_121 = arith.sitofp %convert_element_type3A_120 : vector<208x1024xi32> to vector<208x1024xf32>
    %convert_element_type3A_122 = arith.truncf %convert_element_type3A_121 : vector<208x1024xf32> to vector<208x1024xbf16>
    %concatenate3A_123 = tpu.concatenate %squeeze3A_119, %convert_element_type3A_122 in 0 : vector<32x1024xbf16>, vector<208x1024xbf16> -> vector<240x1024xbf16>
    %dot_general3A_124 = arith.constant dense<0.000000e+00> : vector<64x1024xf32>
    %dot_general3A_125 = tpu.matmul %concatenate3A, %concatenate3A_123, %dot_general3A_124 {dimension_numbers = #tpu.dot_dimension_numbers<[1], [0], [0], [1], [0, 0, 1, 1], [], []>, transpose_lhs_hint = false} : vector<64x240xbf16>, vector<240x1024xbf16>, vector<64x1024xf32> -> vector<64x1024xf32>
    %add3A_126 = arith.addf %dot_general3A_125, %add3A : vector<64x1024xf32>
    %swap3A_127 = arith.constant 5 : index
    %swap3A_128 = arith.constant 0 : index
    %swap3A_129 = arith.constant 0 : index
    %swap3A_130 = vector.load %arg8[%swap3A_127, %swap3A_128, %swap3A_129] : memref<40x64x1024xf32, #tpu.memory_space<vmem>>, vector<1x64x1024xf32>
    %swap3A_131 = vector.shape_cast %swap3A_130 : vector<1x64x1024xf32> to vector<64x1024xf32>
    %swap3A_132 = vector.shape_cast %add3A_126 : vector<64x1024xf32> to vector<1x64x1024xf32>
    tpu.vector_store %arg8[%swap3A_127, %swap3A_128, %swap3A_129], %swap3A_132 {strides = array<i32>} : memref<40x64x1024xf32, #tpu.memory_space<vmem>>, vector<1x64x1024xf32>,
    %slice3A_133 = vector.extract_strided_slice %get3A_16 {offsets = [6, 0], sizes = [1, 1024], strides = [1, 1]} : vector<40x1024xi32> to vector<1x1024xi32>
    %broadcast_in_dim3A_134 = vector.shape_cast %slice3A_133 : vector<1x1024xi32> to vector<1x1024xi32>
    %broadcast_in_dim3A_135 = vector.broadcast %broadcast_in_dim3A_134 : vector<1x1024xi32> to vector<208x1024xi32>
    %eq3A_136 = arith.cmpi eq, %broadcast_in_dim3A_135, %iota3A : vector<208x1024xi32>
    %slice3A_137 = vector.extract_strided_slice %convert_element_type3A {offsets = [6, 0, 0], sizes = [1, 32, 1024], strides = [1, 1, 1]} : vector<40x32x1024xbf16> to vector<1x32x1024xbf16>
    %squeeze3A_138 = vector.shape_cast %slice3A_137 : vector<1x32x1024xbf16> to vector<32x1024xbf16>
    %convert_element_type3A_139 = arith.extui %eq3A_136 : vector<208x1024xi1> to vector<208x1024xi32>
    %convert_element_type3A_140 = arith.sitofp %convert_element_type3A_139 : vector<208x1024xi32> to vector<208x1024xf32>
    %convert_element_type3A_141 = arith.truncf %convert_element_type3A_140 : vector<208x1024xf32> to vector<208x1024xbf16>
    %concatenate3A_142 = tpu.concatenate %squeeze3A_138, %convert_element_type3A_141 in 0 : vector<32x1024xbf16>, vector<208x1024xbf16> -> vector<240x1024xbf16>
    %dot_general3A_143 = arith.constant dense<0.000000e+00> : vector<64x1024xf32>
    %dot_general3A_144 = tpu.matmul %concatenate3A, %concatenate3A_142, %dot_general3A_143 {dimension_numbers = #tpu.dot_dimension_numbers<[1], [0], [0], [1], [0, 0, 1, 1], [], []>, transpose_lhs_hint = false} : vector<64x240xbf16>, vector<240x1024xbf16>, vector<64x1024xf32> -> vector<64x1024xf32>
    %add3A_145 = arith.addf %dot_general3A_144, %add3A : vector<64x1024xf32>
    %swap3A_146 = arith.constant 6 : index
    %swap3A_147 = arith.constant 0 : index
    %swap3A_148 = arith.constant 0 : index
    %swap3A_149 = vector.load %arg8[%swap3A_146, %swap3A_147, %swap3A_148] : memref<40x64x1024xf32, #tpu.memory_space<vmem>>, vector<1x64x1024xf32>
    %swap3A_150 = vector.shape_cast %swap3A_149 : vector<1x64x1024xf32> to vector<64x1024xf32>
    %swap3A_151 = vector.shape_cast %add3A_145 : vector<64x1024xf32> to vector<1x64x1024xf32>
    tpu.vector_store %arg8[%swap3A_146, %swap3A_147, %swap3A_148], %swap3A_151 {strides = array<i32>} : memref<40x64x1024xf32, #tpu.memory_space<vmem>>, vector<1x64x1024xf32>,
    %slice3A_152 = vector.extract_strided_slice %get3A_16 {offsets = [7, 0], sizes = [1, 1024], strides = [1, 1]} : vector<40x1024xi32> to vector<1x1024xi32>
    %broadcast_in_dim3A_153 = vector.shape_cast %slice3A_152 : vector<1x1024xi32> to vector<1x1024xi32>
    %broadcast_in_dim3A_154 = vector.broadcast %broadcast_in_dim3A_153 : vector<1x1024xi32> to vector<208x1024xi32>
    %eq3A_155 = arith.cmpi eq, %broadcast_in_dim3A_154, %iota3A : vector<208x1024xi32>
    %slice3A_156 = vector.extract_strided_slice %convert_element_type3A {offsets = [7, 0, 0], sizes = [1, 32, 1024], strides = [1, 1, 1]} : vector<40x32x1024xbf16> to vector<1x32x1024xbf16>
    %squeeze3A_157 = vector.shape_cast %slice3A_156 : vector<1x32x1024xbf16> to vector<32x1024xbf16>
    %convert_element_type3A_158 = arith.extui %eq3A_155 : vector<208x1024xi1> to vector<208x1024xi32>
    %convert_element_type3A_159 = arith.sitofp %convert_element_type3A_158 : vector<208x1024xi32> to vector<208x1024xf32>
    %convert_element_type3A_160 = arith.truncf %convert_element_type3A_159 : vector<208x1024xf32> to vector<208x1024xbf16>
    %concatenate3A_161 = tpu.concatenate %squeeze3A_157, %convert_element_type3A_160 in 0 : vector<32x1024xbf16>, vector<208x1024xbf16> -> vector<240x1024xbf16>
    %dot_general3A_162 = arith.constant dense<0.000000e+00> : vector<64x1024xf32>
    %dot_general3A_163 = tpu.matmul %concatenate3A, %concatenate3A_161, %dot_general3A_162 {dimension_numbers = #tpu.dot_dimension_numbers<[1], [0], [0], [1], [0, 0, 1, 1], [], []>, transpose_lhs_hint = false} : vector<64x240xbf16>, vector<240x1024xbf16>, vector<64x1024xf32> -> vector<64x1024xf32>
    %add3A_164 = arith.addf %dot_general3A_163, %add3A : vector<64x1024xf32>
    %swap3A_165 = arith.constant 7 : index
    %swap3A_166 = arith.constant 0 : index
    %swap3A_167 = arith.constant 0 : index
    %swap3A_168 = vector.load %arg8[%swap3A_165, %swap3A_166, %swap3A_167] : memref<40x64x1024xf32, #tpu.memory_space<vmem>>, vector<1x64x1024xf32>
    %swap3A_169 = vector.shape_cast %swap3A_168 : vector<1x64x1024xf32> to vector<64x1024xf32>
    %swap3A_170 = vector.shape_cast %add3A_164 : vector<64x1024xf32> to vector<1x64x1024xf32>
    tpu.vector_store %arg8[%swap3A_165, %swap3A_166, %swap3A_167], %swap3A_170 {strides = array<i32>} : memref<40x64x1024xf32, #tpu.memory_space<vmem>>, vector<1x64x1024xf32>,
    %slice3A_171 = vector.extract_strided_slice %get3A_16 {offsets = [8, 0], sizes = [1, 1024], strides = [1, 1]} : vector<40x1024xi32> to vector<1x1024xi32>
    %broadcast_in_dim3A_172 = vector.shape_cast %slice3A_171 : vector<1x1024xi32> to vector<1x1024xi32>
    %broadcast_in_dim3A_173 = vector.broadcast %broadcast_in_dim3A_172 : vector<1x1024xi32> to vector<208x1024xi32>
    %eq3A_174 = arith.cmpi eq, %broadcast_in_dim3A_173, %iota3A : vector<208x1024xi32>
    %slice3A_175 = vector.extract_strided_slice %convert_element_type3A {offsets = [8, 0, 0], sizes = [1, 32, 1024], strides = [1, 1, 1]} : vector<40x32x1024xbf16> to vector<1x32x1024xbf16>
    %squeeze3A_176 = vector.shape_cast %slice3A_175 : vector<1x32x1024xbf16> to vector<32x1024xbf16>
    %convert_element_type3A_177 = arith.extui %eq3A_174 : vector<208x1024xi1> to vector<208x1024xi32>
    %convert_element_type3A_178 = arith.sitofp %convert_element_type3A_177 : vector<208x1024xi32> to vector<208x1024xf32>
    %convert_element_type3A_179 = arith.truncf %convert_element_type3A_178 : vector<208x1024xf32> to vector<208x1024xbf16>
    %concatenate3A_180 = tpu.concatenate %squeeze3A_176, %convert_element_type3A_179 in 0 : vector<32x1024xbf16>, vector<208x1024xbf16> -> vector<240x1024xbf16>
    %dot_general3A_181 = arith.constant dense<0.000000e+00> : vector<64x1024xf32>
    %dot_general3A_182 = tpu.matmul %concatenate3A, %concatenate3A_180, %dot_general3A_181 {dimension_numbers = #tpu.dot_dimension_numbers<[1], [0], [0], [1], [0, 0, 1, 1], [], []>, transpose_lhs_hint = false} : vector<64x240xbf16>, vector<240x1024xbf16>, vector<64x1024xf32> -> vector<64x1024xf32>
    %add3A_183 = arith.addf %dot_general3A_182, %add3A : vector<64x1024xf32>
    %swap3A_184 = arith.constant 8 : index
    %swap3A_185 = arith.constant 0 : index
    %swap3A_186 = arith.constant 0 : index
    %swap3A_187 = vector.load %arg8[%swap3A_184, %swap3A_185, %swap3A_186] : memref<40x64x1024xf32, #tpu.memory_space<vmem>>, vector<1x64x1024xf32>
    %swap3A_188 = vector.shape_cast %swap3A_187 : vector<1x64x1024xf32> to vector<64x1024xf32>
    %swap3A_189 = vector.shape_cast %add3A_183 : vector<64x1024xf32> to vector<1x64x1024xf32>
    tpu.vector_store %arg8[%swap3A_184, %swap3A_185, %swap3A_186], %swap3A_189 {strides = array<i32>} : memref<40x64x1024xf32, #tpu.memory_space<vmem>>, vector<1x64x1024xf32>,
    %slice3A_190 = vector.extract_strided_slice %get3A_16 {offsets = [9, 0], sizes = [1, 1024], strides = [1, 1]} : vector<40x1024xi32> to vector<1x1024xi32>
    %broadcast_in_dim3A_191 = vector.shape_cast %slice3A_190 : vector<1x1024xi32> to vector<1x1024xi32>
    %broadcast_in_dim3A_192 = vector.broadcast %broadcast_in_dim3A_191 : vector<1x1024xi32> to vector<208x1024xi32>
    %eq3A_193 = arith.cmpi eq, %broadcast_in_dim3A_192, %iota3A : vector<208x1024xi32>
    %slice3A_194 = vector.extract_strided_slice %convert_element_type3A {offsets = [9, 0, 0], sizes = [1, 32, 1024], strides = [1, 1, 1]} : vector<40x32x1024xbf16> to vector<1x32x1024xbf16>
    %squeeze3A_195 = vector.shape_cast %slice3A_194 : vector<1x32x1024xbf16> to vector<32x1024xbf16>
    %convert_element_type3A_196 = arith.extui %eq3A_193 : vector<208x1024xi1> to vector<208x1024xi32>
    %convert_element_type3A_197 = arith.sitofp %convert_element_type3A_196 : vector<208x1024xi32> to vector<208x1024xf32>
    %convert_element_type3A_198 = arith.truncf %convert_element_type3A_197 : vector<208x1024xf32> to vector<208x1024xbf16>
    %concatenate3A_199 = tpu.concatenate %squeeze3A_195, %convert_element_type3A_198 in 0 : vector<32x1024xbf16>, vector<208x1024xbf16> -> vector<240x1024xbf16>
    %dot_general3A_200 = arith.constant dense<0.000000e+00> : vector<64x1024xf32>
    %dot_general3A_201 = tpu.matmul %concatenate3A, %concatenate3A_199, %dot_general3A_200 {dimension_numbers = #tpu.dot_dimension_numbers<[1], [0], [0], [1], [0, 0, 1, 1], [], []>, transpose_lhs_hint = false} : vector<64x240xbf16>, vector<240x1024xbf16>, vector<64x1024xf32> -> vector<64x1024xf32>
    %add3A_202 = arith.addf %dot_general3A_201, %add3A : vector<64x1024xf32>
    %swap3A_203 = arith.constant 9 : index
    %swap3A_204 = arith.constant 0 : index
    %swap3A_205 = arith.constant 0 : index
    %swap3A_206 = vector.load %arg8[%swap3A_203, %swap3A_204, %swap3A_205] : memref<40x64x1024xf32, #tpu.memory_space<vmem>>, vector<1x64x1024xf32>
    %swap3A_207 = vector.shape_cast %swap3A_206 : vector<1x64x1024xf32> to vector<64x1024xf32>
    %swap3A_208 = vector.shape_cast %add3A_202 : vector<64x1024xf32> to vector<1x64x1024xf32>
    tpu.vector_store %arg8[%swap3A_203, %swap3A_204, %swap3A_205], %swap3A_208 {strides = array<i32>} : memref<40x64x1024xf32, #tpu.memory_space<vmem>>, vector<1x64x1024xf32>,
    %slice3A_209 = vector.extract_strided_slice %get3A_16 {offsets = [10, 0], sizes = [1, 1024], strides = [1, 1]} : vector<40x1024xi32> to vector<1x1024xi32>
    %broadcast_in_dim3A_210 = vector.shape_cast %slice3A_209 : vector<1x1024xi32> to vector<1x1024xi32>
    %broadcast_in_dim3A_211 = vector.broadcast %broadcast_in_dim3A_210 : vector<1x1024xi32> to vector<208x1024xi32>
    %eq3A_212 = arith.cmpi eq, %broadcast_in_dim3A_211, %iota3A : vector<208x1024xi32>
    %slice3A_213 = vector.extract_strided_slice %convert_element_type3A {offsets = [10, 0, 0], sizes = [1, 32, 1024], strides = [1, 1, 1]} : vector<40x32x1024xbf16> to vector<1x32x1024xbf16>
    %squeeze3A_214 = vector.shape_cast %slice3A_213 : vector<1x32x1024xbf16> to vector<32x1024xbf16>
    %convert_element_type3A_215 = arith.extui %eq3A_212 : vector<208x1024xi1> to vector<208x1024xi32>
    %convert_element_type3A_216 = arith.sitofp %convert_element_type3A_215 : vector<208x1024xi32> to vector<208x1024xf32>
    %convert_element_type3A_217 = arith.truncf %convert_element_type3A_216 : vector<208x1024xf32> to vector<208x1024xbf16>
    %concatenate3A_218 = tpu.concatenate %squeeze3A_214, %convert_element_type3A_217 in 0 : vector<32x1024xbf16>, vector<208x1024xbf16> -> vector<240x1024xbf16>
    %dot_general3A_219 = arith.constant dense<0.000000e+00> : vector<64x1024xf32>
    %dot_general3A_220 = tpu.matmul %concatenate3A, %concatenate3A_218, %dot_general3A_219 {dimension_numbers = #tpu.dot_dimension_numbers<[1], [0], [0], [1], [0, 0, 1, 1], [], []>, transpose_lhs_hint = false} : vector<64x240xbf16>, vector<240x1024xbf16>, vector<64x1024xf32> -> vector<64x1024xf32>
    %add3A_221 = arith.addf %dot_general3A_220, %add3A : vector<64x1024xf32>
    %swap3A_222 = arith.constant 10 : index
    %swap3A_223 = arith.constant 0 : index
    %swap3A_224 = arith.constant 0 : index
    %swap3A_225 = vector.load %arg8[%swap3A_222, %swap3A_223, %swap3A_224] : memref<40x64x1024xf32, #tpu.memory_space<vmem>>, vector<1x64x1024xf32>
    %swap3A_226 = vector.shape_cast %swap3A_225 : vector<1x64x1024xf32> to vector<64x1024xf32>
    %swap3A_227 = vector.shape_cast %add3A_221 : vector<64x1024xf32> to vector<1x64x1024xf32>
    tpu.vector_store %arg8[%swap3A_222, %swap3A_223, %swap3A_224], %swap3A_227 {strides = array<i32>} : memref<40x64x1024xf32, #tpu.memory_space<vmem>>, vector<1x64x1024xf32>,
    %slice3A_228 = vector.extract_strided_slice %get3A_16 {offsets = [11, 0], sizes = [1, 1024], strides = [1, 1]} : vector<40x1024xi32> to vector<1x1024xi32>
    %broadcast_in_dim3A_229 = vector.shape_cast %slice3A_228 : vector<1x1024xi32> to vector<1x1024xi32>
    %broadcast_in_dim3A_230 = vector.broadcast %broadcast_in_dim3A_229 : vector<1x1024xi32> to vector<208x1024xi32>
    %eq3A_231 = arith.cmpi eq, %broadcast_in_dim3A_230, %iota3A : vector<208x1024xi32>
    %slice3A_232 = vector.extract_strided_slice %convert_element_type3A {offsets = [11, 0, 0], sizes = [1, 32, 1024], strides = [1, 1, 1]} : vector<40x32x1024xbf16> to vector<1x32x1024xbf16>
    %squeeze3A_233 = vector.shape_cast %slice3A_232 : vector<1x32x1024xbf16> to vector<32x1024xbf16>
    %convert_element_type3A_234 = arith.extui %eq3A_231 : vector<208x1024xi1> to vector<208x1024xi32>
    %convert_element_type3A_235 = arith.sitofp %convert_element_type3A_234 : vector<208x1024xi32> to vector<208x1024xf32>
    %convert_element_type3A_236 = arith.truncf %convert_element_type3A_235 : vector<208x1024xf32> to vector<208x1024xbf16>
    %concatenate3A_237 = tpu.concatenate %squeeze3A_233, %convert_element_type3A_236 in 0 : vector<32x1024xbf16>, vector<208x1024xbf16> -> vector<240x1024xbf16>
    %dot_general3A_238 = arith.constant dense<0.000000e+00> : vector<64x1024xf32>
    %dot_general3A_239 = tpu.matmul %concatenate3A, %concatenate3A_237, %dot_general3A_238 {dimension_numbers = #tpu.dot_dimension_numbers<[1], [0], [0], [1], [0, 0, 1, 1], [], []>, transpose_lhs_hint = false} : vector<64x240xbf16>, vector<240x1024xbf16>, vector<64x1024xf32> -> vector<64x1024xf32>
    %add3A_240 = arith.addf %dot_general3A_239, %add3A : vector<64x1024xf32>
    %swap3A_241 = arith.constant 11 : index
    %swap3A_242 = arith.constant 0 : index
    %swap3A_243 = arith.constant 0 : index
    %swap3A_244 = vector.load %arg8[%swap3A_241, %swap3A_242, %swap3A_243] : memref<40x64x1024xf32, #tpu.memory_space<vmem>>, vector<1x64x1024xf32>
    %swap3A_245 = vector.shape_cast %swap3A_244 : vector<1x64x1024xf32> to vector<64x1024xf32>
    %swap3A_246 = vector.shape_cast %add3A_240 : vector<64x1024xf32> to vector<1x64x1024xf32>
    tpu.vector_store %arg8[%swap3A_241, %swap3A_242, %swap3A_243], %swap3A_246 {strides = array<i32>} : memref<40x64x1024xf32, #tpu.memory_space<vmem>>, vector<1x64x1024xf32>,
    %slice3A_247 = vector.extract_strided_slice %get3A_16 {offsets = [12, 0], sizes = [1, 1024], strides = [1, 1]} : vector<40x1024xi32> to vector<1x1024xi32>
    %broadcast_in_dim3A_248 = vector.shape_cast %slice3A_247 : vector<1x1024xi32> to vector<1x1024xi32>
    %broadcast_in_dim3A_249 = vector.broadcast %broadcast_in_dim3A_248 : vector<1x1024xi32> to vector<208x1024xi32>
    %eq3A_250 = arith.cmpi eq, %broadcast_in_dim3A_249, %iota3A : vector<208x1024xi32>
    %slice3A_251 = vector.extract_strided_slice %convert_element_type3A {offsets = [12, 0, 0], sizes = [1, 32, 1024], strides = [1, 1, 1]} : vector<40x32x1024xbf16> to vector<1x32x1024xbf16>
    %squeeze3A_252 = vector.shape_cast %slice3A_251 : vector<1x32x1024xbf16> to vector<32x1024xbf16>
    %convert_element_type3A_253 = arith.extui %eq3A_250 : vector<208x1024xi1> to vector<208x1024xi32>
    %convert_element_type3A_254 = arith.sitofp %convert_element_type3A_253 : vector<208x1024xi32> to vector<208x1024xf32>
    %convert_element_type3A_255 = arith.truncf %convert_element_type3A_254 : vector<208x1024xf32> to vector<208x1024xbf16>
    %concatenate3A_256 = tpu.concatenate %squeeze3A_252, %convert_element_type3A_255 in 0 : vector<32x1024xbf16>, vector<208x1024xbf16> -> vector<240x1024xbf16>
    %dot_general3A_257 = arith.constant dense<0.000000e+00> : vector<64x1024xf32>
    %dot_general3A_258 = tpu.matmul %concatenate3A, %concatenate3A_256, %dot_general3A_257 {dimension_numbers = #tpu.dot_dimension_numbers<[1], [0], [0], [1], [0, 0, 1, 1], [], []>, transpose_lhs_hint = false} : vector<64x240xbf16>, vector<240x1024xbf16>, vector<64x1024xf32> -> vector<64x1024xf32>
    %add3A_259 = arith.addf %dot_general3A_258, %add3A : vector<64x1024xf32>
    %swap3A_260 = arith.constant 12 : index
    %swap3A_261 = arith.constant 0 : index
    %swap3A_262 = arith.constant 0 : index
    %swap3A_263 = vector.load %arg8[%swap3A_260, %swap3A_261, %swap3A_262] : memref<40x64x1024xf32, #tpu.memory_space<vmem>>, vector<1x64x1024xf32>
    %swap3A_264 = vector.shape_cast %swap3A_263 : vector<1x64x1024xf32> to vector<64x1024xf32>
    %swap3A_265 = vector.shape_cast %add3A_259 : vector<64x1024xf32> to vector<1x64x1024xf32>
    tpu.vector_store %arg8[%swap3A_260, %swap3A_261, %swap3A_262], %swap3A_265 {strides = array<i32>} : memref<40x64x1024xf32, #tpu.memory_space<vmem>>, vector<1x64x1024xf32>,
    %slice3A_266 = vector.extract_strided_slice %get3A_16 {offsets = [13, 0], sizes = [1, 1024], strides = [1, 1]} : vector<40x1024xi32> to vector<1x1024xi32>
    %broadcast_in_dim3A_267 = vector.shape_cast %slice3A_266 : vector<1x1024xi32> to vector<1x1024xi32>
    %broadcast_in_dim3A_268 = vector.broadcast %broadcast_in_dim3A_267 : vector<1x1024xi32> to vector<208x1024xi32>
    %eq3A_269 = arith.cmpi eq, %broadcast_in_dim3A_268, %iota3A : vector<208x1024xi32>
    %slice3A_270 = vector.extract_strided_slice %convert_element_type3A {offsets = [13, 0, 0], sizes = [1, 32, 1024], strides = [1, 1, 1]} : vector<40x32x1024xbf16> to vector<1x32x1024xbf16>
    %squeeze3A_271 = vector.shape_cast %slice3A_270 : vector<1x32x1024xbf16> to vector<32x1024xbf16>
    %convert_element_type3A_272 = arith.extui %eq3A_269 : vector<208x1024xi1> to vector<208x1024xi32>
    %convert_element_type3A_273 = arith.sitofp %convert_element_type3A_272 : vector<208x1024xi32> to vector<208x1024xf32>
    %convert_element_type3A_274 = arith.truncf %convert_element_type3A_273 : vector<208x1024xf32> to vector<208x1024xbf16>
    %concatenate3A_275 = tpu.concatenate %squeeze3A_271, %convert_element_type3A_274 in 0 : vector<32x1024xbf16>, vector<208x1024xbf16> -> vector<240x1024xbf16>
    %dot_general3A_276 = arith.constant dense<0.000000e+00> : vector<64x1024xf32>
    %dot_general3A_277 = tpu.matmul %concatenate3A, %concatenate3A_275, %dot_general3A_276 {dimension_numbers = #tpu.dot_dimension_numbers<[1], [0], [0], [1], [0, 0, 1, 1], [], []>, transpose_lhs_hint = false} : vector<64x240xbf16>, vector<240x1024xbf16>, vector<64x1024xf32> -> vector<64x1024xf32>
    %add3A_278 = arith.addf %dot_general3A_277, %add3A : vector<64x1024xf32>
    %swap3A_279 = arith.constant 13 : index
    %swap3A_280 = arith.constant 0 : index
    %swap3A_281 = arith.constant 0 : index
    %swap3A_282 = vector.load %arg8[%swap3A_279, %swap3A_280, %swap3A_281] : memref<40x64x1024xf32, #tpu.memory_space<vmem>>, vector<1x64x1024xf32>
    %swap3A_283 = vector.shape_cast %swap3A_282 : vector<1x64x1024xf32> to vector<64x1024xf32>
    %swap3A_284 = vector.shape_cast %add3A_278 : vector<64x1024xf32> to vector<1x64x1024xf32>
    tpu.vector_store %arg8[%swap3A_279, %swap3A_280, %swap3A_281], %swap3A_284 {strides = array<i32>} : memref<40x64x1024xf32, #tpu.memory_space<vmem>>, vector<1x64x1024xf32>,
    %slice3A_285 = vector.extract_strided_slice %get3A_16 {offsets = [14, 0], sizes = [1, 1024], strides = [1, 1]} : vector<40x1024xi32> to vector<1x1024xi32>
    %broadcast_in_dim3A_286 = vector.shape_cast %slice3A_285 : vector<1x1024xi32> to vector<1x1024xi32>
    %broadcast_in_dim3A_287 = vector.broadcast %broadcast_in_dim3A_286 : vector<1x1024xi32> to vector<208x1024xi32>
    %eq3A_288 = arith.cmpi eq, %broadcast_in_dim3A_287, %iota3A : vector<208x1024xi32>
    %slice3A_289 = vector.extract_strided_slice %convert_element_type3A {offsets = [14, 0, 0], sizes = [1, 32, 1024], strides = [1, 1, 1]} : vector<40x32x1024xbf16> to vector<1x32x1024xbf16>
    %squeeze3A_290 = vector.shape_cast %slice3A_289 : vector<1x32x1024xbf16> to vector<32x1024xbf16>
    %convert_element_type3A_291 = arith.extui %eq3A_288 : vector<208x1024xi1> to vector<208x1024xi32>
    %convert_element_type3A_292 = arith.sitofp %convert_element_type3A_291 : vector<208x1024xi32> to vector<208x1024xf32>
    %convert_element_type3A_293 = arith.truncf %convert_element_type3A_292 : vector<208x1024xf32> to vector<208x1024xbf16>
    %concatenate3A_294 = tpu.concatenate %squeeze3A_290, %convert_element_type3A_293 in 0 : vector<32x1024xbf16>, vector<208x1024xbf16> -> vector<240x1024xbf16>
    %dot_general3A_295 = arith.constant dense<0.000000e+00> : vector<64x1024xf32>
    %dot_general3A_296 = tpu.matmul %concatenate3A, %concatenate3A_294, %dot_general3A_295 {dimension_numbers = #tpu.dot_dimension_numbers<[1], [0], [0], [1], [0, 0, 1, 1], [], []>, transpose_lhs_hint = false} : vector<64x240xbf16>, vector<240x1024xbf16>, vector<64x1024xf32> -> vector<64x1024xf32>
    %add3A_297 = arith.addf %dot_general3A_296, %add3A : vector<64x1024xf32>
    %swap3A_298 = arith.constant 14 : index
    %swap3A_299 = arith.constant 0 : index
    %swap3A_300 = arith.constant 0 : index
    %swap3A_301 = vector.load %arg8[%swap3A_298, %swap3A_299, %swap3A_300] : memref<40x64x1024xf32, #tpu.memory_space<vmem>>, vector<1x64x1024xf32>
    %swap3A_302 = vector.shape_cast %swap3A_301 : vector<1x64x1024xf32> to vector<64x1024xf32>
    %swap3A_303 = vector.shape_cast %add3A_297 : vector<64x1024xf32> to vector<1x64x1024xf32>
    tpu.vector_store %arg8[%swap3A_298, %swap3A_299, %swap3A_300], %swap3A_303 {strides = array<i32>} : memref<40x64x1024xf32, #tpu.memory_space<vmem>>, vector<1x64x1024xf32>,
    %slice3A_304 = vector.extract_strided_slice %get3A_16 {offsets = [15, 0], sizes = [1, 1024], strides = [1, 1]} : vector<40x1024xi32> to vector<1x1024xi32>
    %broadcast_in_dim3A_305 = vector.shape_cast %slice3A_304 : vector<1x1024xi32> to vector<1x1024xi32>
    %broadcast_in_dim3A_306 = vector.broadcast %broadcast_in_dim3A_305 : vector<1x1024xi32> to vector<208x1024xi32>
    %eq3A_307 = arith.cmpi eq, %broadcast_in_dim3A_306, %iota3A : vector<208x1024xi32>
    %slice3A_308 = vector.extract_strided_slice %convert_element_type3A {offsets = [15, 0, 0], sizes = [1, 32, 1024], strides = [1, 1, 1]} : vector<40x32x1024xbf16> to vector<1x32x1024xbf16>
    %squeeze3A_309 = vector.shape_cast %slice3A_308 : vector<1x32x1024xbf16> to vector<32x1024xbf16>
    %convert_element_type3A_310 = arith.extui %eq3A_307 : vector<208x1024xi1> to vector<208x1024xi32>
    %convert_element_type3A_311 = arith.sitofp %convert_element_type3A_310 : vector<208x1024xi32> to vector<208x1024xf32>
    %convert_element_type3A_312 = arith.truncf %convert_element_type3A_311 : vector<208x1024xf32> to vector<208x1024xbf16>
    %concatenate3A_313 = tpu.concatenate %squeeze3A_309, %convert_element_type3A_312 in 0 : vector<32x1024xbf16>, vector<208x1024xbf16> -> vector<240x1024xbf16>
    %dot_general3A_314 = arith.constant dense<0.000000e+00> : vector<64x1024xf32>
    %dot_general3A_315 = tpu.matmul %concatenate3A, %concatenate3A_313, %dot_general3A_314 {dimension_numbers = #tpu.dot_dimension_numbers<[1], [0], [0], [1], [0, 0, 1, 1], [], []>, transpose_lhs_hint = false} : vector<64x240xbf16>, vector<240x1024xbf16>, vector<64x1024xf32> -> vector<64x1024xf32>
    %add3A_316 = arith.addf %dot_general3A_315, %add3A : vector<64x1024xf32>
    %swap3A_317 = arith.constant 15 : index
    %swap3A_318 = arith.constant 0 : index
    %swap3A_319 = arith.constant 0 : index
    %swap3A_320 = vector.load %arg8[%swap3A_317, %swap3A_318, %swap3A_319] : memref<40x64x1024xf32, #tpu.memory_space<vmem>>, vector<1x64x1024xf32>
    %swap3A_321 = vector.shape_cast %swap3A_320 : vector<1x64x1024xf32> to vector<64x1024xf32>
    %swap3A_322 = vector.shape_cast %add3A_316 : vector<64x1024xf32> to vector<1x64x1024xf32>
    tpu.vector_store %arg8[%swap3A_317, %swap3A_318, %swap3A_319], %swap3A_322 {strides = array<i32>} : memref<40x64x1024xf32, #tpu.memory_space<vmem>>, vector<1x64x1024xf32>,
    %slice3A_323 = vector.extract_strided_slice %get3A_16 {offsets = [16, 0], sizes = [1, 1024], strides = [1, 1]} : vector<40x1024xi32> to vector<1x1024xi32>
    %broadcast_in_dim3A_324 = vector.shape_cast %slice3A_323 : vector<1x1024xi32> to vector<1x1024xi32>
    %broadcast_in_dim3A_325 = vector.broadcast %broadcast_in_dim3A_324 : vector<1x1024xi32> to vector<208x1024xi32>
    %eq3A_326 = arith.cmpi eq, %broadcast_in_dim3A_325, %iota3A : vector<208x1024xi32>
    %slice3A_327 = vector.extract_strided_slice %convert_element_type3A {offsets = [16, 0, 0], sizes = [1, 32, 1024], strides = [1, 1, 1]} : vector<40x32x1024xbf16> to vector<1x32x1024xbf16>
    %squeeze3A_328 = vector.shape_cast %slice3A_327 : vector<1x32x1024xbf16> to vector<32x1024xbf16>
    %convert_element_type3A_329 = arith.extui %eq3A_326 : vector<208x1024xi1> to vector<208x1024xi32>
    %convert_element_type3A_330 = arith.sitofp %convert_element_type3A_329 : vector<208x1024xi32> to vector<208x1024xf32>
    %convert_element_type3A_331 = arith.truncf %convert_element_type3A_330 : vector<208x1024xf32> to vector<208x1024xbf16>
    %concatenate3A_332 = tpu.concatenate %squeeze3A_328, %convert_element_type3A_331 in 0 : vector<32x1024xbf16>, vector<208x1024xbf16> -> vector<240x1024xbf16>
    %dot_general3A_333 = arith.constant dense<0.000000e+00> : vector<64x1024xf32>
    %dot_general3A_334 = tpu.matmul %concatenate3A, %concatenate3A_332, %dot_general3A_333 {dimension_numbers = #tpu.dot_dimension_numbers<[1], [0], [0], [1], [0, 0, 1, 1], [], []>, transpose_lhs_hint = false} : vector<64x240xbf16>, vector<240x1024xbf16>, vector<64x1024xf32> -> vector<64x1024xf32>
    %add3A_335 = arith.addf %dot_general3A_334, %add3A : vector<64x1024xf32>
    %swap3A_336 = arith.constant 16 : index
    %swap3A_337 = arith.constant 0 : index
    %swap3A_338 = arith.constant 0 : index
    %swap3A_339 = vector.load %arg8[%swap3A_336, %swap3A_337, %swap3A_338] : memref<40x64x1024xf32, #tpu.memory_space<vmem>>, vector<1x64x1024xf32>
    %swap3A_340 = vector.shape_cast %swap3A_339 : vector<1x64x1024xf32> to vector<64x1024xf32>
    %swap3A_341 = vector.shape_cast %add3A_335 : vector<64x1024xf32> to vector<1x64x1024xf32>
    tpu.vector_store %arg8[%swap3A_336, %swap3A_337, %swap3A_338], %swap3A_341 {strides = array<i32>} : memref<40x64x1024xf32, #tpu.memory_space<vmem>>, vector<1x64x1024xf32>,
    %slice3A_342 = vector.extract_strided_slice %get3A_16 {offsets = [17, 0], sizes = [1, 1024], strides = [1, 1]} : vector<40x1024xi32> to vector<1x1024xi32>
    %broadcast_in_dim3A_343 = vector.shape_cast %slice3A_342 : vector<1x1024xi32> to vector<1x1024xi32>
    %broadcast_in_dim3A_344 = vector.broadcast %broadcast_in_dim3A_343 : vector<1x1024xi32> to vector<208x1024xi32>
    %eq3A_345 = arith.cmpi eq, %broadcast_in_dim3A_344, %iota3A : vector<208x1024xi32>
    %slice3A_346 = vector.extract_strided_slice %convert_element_type3A {offsets = [17, 0, 0], sizes = [1, 32, 1024], strides = [1, 1, 1]} : vector<40x32x1024xbf16> to vector<1x32x1024xbf16>
    %squeeze3A_347 = vector.shape_cast %slice3A_346 : vector<1x32x1024xbf16> to vector<32x1024xbf16>
    %convert_element_type3A_348 = arith.extui %eq3A_345 : vector<208x1024xi1> to vector<208x1024xi32>
    %convert_element_type3A_349 = arith.sitofp %convert_element_type3A_348 : vector<208x1024xi32> to vector<208x1024xf32>
    %convert_element_type3A_350 = arith.truncf %convert_element_type3A_349 : vector<208x1024xf32> to vector<208x1024xbf16>
    %concatenate3A_351 = tpu.concatenate %squeeze3A_347, %convert_element_type3A_350 in 0 : vector<32x1024xbf16>, vector<208x1024xbf16> -> vector<240x1024xbf16>
    %dot_general3A_352 = arith.constant dense<0.000000e+00> : vector<64x1024xf32>
    %dot_general3A_353 = tpu.matmul %concatenate3A, %concatenate3A_351, %dot_general3A_352 {dimension_numbers = #tpu.dot_dimension_numbers<[1], [0], [0], [1], [0, 0, 1, 1], [], []>, transpose_lhs_hint = false} : vector<64x240xbf16>, vector<240x1024xbf16>, vector<64x1024xf32> -> vector<64x1024xf32>
    %add3A_354 = arith.addf %dot_general3A_353, %add3A : vector<64x1024xf32>
    %swap3A_355 = arith.constant 17 : index
    %swap3A_356 = arith.constant 0 : index
    %swap3A_357 = arith.constant 0 : index
    %swap3A_358 = vector.load %arg8[%swap3A_355, %swap3A_356, %swap3A_357] : memref<40x64x1024xf32, #tpu.memory_space<vmem>>, vector<1x64x1024xf32>
    %swap3A_359 = vector.shape_cast %swap3A_358 : vector<1x64x1024xf32> to vector<64x1024xf32>
    %swap3A_360 = vector.shape_cast %add3A_354 : vector<64x1024xf32> to vector<1x64x1024xf32>
    tpu.vector_store %arg8[%swap3A_355, %swap3A_356, %swap3A_357], %swap3A_360 {strides = array<i32>} : memref<40x64x1024xf32, #tpu.memory_space<vmem>>, vector<1x64x1024xf32>,
    %slice3A_361 = vector.extract_strided_slice %get3A_16 {offsets = [18, 0], sizes = [1, 1024], strides = [1, 1]} : vector<40x1024xi32> to vector<1x1024xi32>
    %broadcast_in_dim3A_362 = vector.shape_cast %slice3A_361 : vector<1x1024xi32> to vector<1x1024xi32>
    %broadcast_in_dim3A_363 = vector.broadcast %broadcast_in_dim3A_362 : vector<1x1024xi32> to vector<208x1024xi32>
    %eq3A_364 = arith.cmpi eq, %broadcast_in_dim3A_363, %iota3A : vector<208x1024xi32>
    %slice3A_365 = vector.extract_strided_slice %convert_element_type3A {offsets = [18, 0, 0], sizes = [1, 32, 1024], strides = [1, 1, 1]} : vector<40x32x1024xbf16> to vector<1x32x1024xbf16>
    %squeeze3A_366 = vector.shape_cast %slice3A_365 : vector<1x32x1024xbf16> to vector<32x1024xbf16>
    %convert_element_type3A_367 = arith.extui %eq3A_364 : vector<208x1024xi1> to vector<208x1024xi32>
    %convert_element_type3A_368 = arith.sitofp %convert_element_type3A_367 : vector<208x1024xi32> to vector<208x1024xf32>
    %convert_element_type3A_369 = arith.truncf %convert_element_type3A_368 : vector<208x1024xf32> to vector<208x1024xbf16>
    %concatenate3A_370 = tpu.concatenate %squeeze3A_366, %convert_element_type3A_369 in 0 : vector<32x1024xbf16>, vector<208x1024xbf16> -> vector<240x1024xbf16>
    %dot_general3A_371 = arith.constant dense<0.000000e+00> : vector<64x1024xf32>
    %dot_general3A_372 = tpu.matmul %concatenate3A, %concatenate3A_370, %dot_general3A_371 {dimension_numbers = #tpu.dot_dimension_numbers<[1], [0], [0], [1], [0, 0, 1, 1], [], []>, transpose_lhs_hint = false} : vector<64x240xbf16>, vector<240x1024xbf16>, vector<64x1024xf32> -> vector<64x1024xf32>
    %add3A_373 = arith.addf %dot_general3A_372, %add3A : vector<64x1024xf32>
    %swap3A_374 = arith.constant 18 : index
    %swap3A_375 = arith.constant 0 : index
    %swap3A_376 = arith.constant 0 : index
    %swap3A_377 = vector.load %arg8[%swap3A_374, %swap3A_375, %swap3A_376] : memref<40x64x1024xf32, #tpu.memory_space<vmem>>, vector<1x64x1024xf32>
    %swap3A_378 = vector.shape_cast %swap3A_377 : vector<1x64x1024xf32> to vector<64x1024xf32>
    %swap3A_379 = vector.shape_cast %add3A_373 : vector<64x1024xf32> to vector<1x64x1024xf32>
    tpu.vector_store %arg8[%swap3A_374, %swap3A_375, %swap3A_376], %swap3A_379 {strides = array<i32>} : memref<40x64x1024xf32, #tpu.memory_space<vmem>>, vector<1x64x1024xf32>,
    %slice3A_380 = vector.extract_strided_slice %get3A_16 {offsets = [19, 0], sizes = [1, 1024], strides = [1, 1]} : vector<40x1024xi32> to vector<1x1024xi32>
    %broadcast_in_dim3A_381 = vector.shape_cast %slice3A_380 : vector<1x1024xi32> to vector<1x1024xi32>
    %broadcast_in_dim3A_382 = vector.broadcast %broadcast_in_dim3A_381 : vector<1x1024xi32> to vector<208x1024xi32>
    %eq3A_383 = arith.cmpi eq, %broadcast_in_dim3A_382, %iota3A : vector<208x1024xi32>
    %slice3A_384 = vector.extract_strided_slice %convert_element_type3A {offsets = [19, 0, 0], sizes = [1, 32, 1024], strides = [1, 1, 1]} : vector<40x32x1024xbf16> to vector<1x32x1024xbf16>
    %squeeze3A_385 = vector.shape_cast %slice3A_384 : vector<1x32x1024xbf16> to vector<32x1024xbf16>
    %convert_element_type3A_386 = arith.extui %eq3A_383 : vector<208x1024xi1> to vector<208x1024xi32>
    %convert_element_type3A_387 = arith.sitofp %convert_element_type3A_386 : vector<208x1024xi32> to vector<208x1024xf32>
    %convert_element_type3A_388 = arith.truncf %convert_element_type3A_387 : vector<208x1024xf32> to vector<208x1024xbf16>
    %concatenate3A_389 = tpu.concatenate %squeeze3A_385, %convert_element_type3A_388 in 0 : vector<32x1024xbf16>, vector<208x1024xbf16> -> vector<240x1024xbf16>
    %dot_general3A_390 = arith.constant dense<0.000000e+00> : vector<64x1024xf32>
    %dot_general3A_391 = tpu.matmul %concatenate3A, %concatenate3A_389, %dot_general3A_390 {dimension_numbers = #tpu.dot_dimension_numbers<[1], [0], [0], [1], [0, 0, 1, 1], [], []>, transpose_lhs_hint = false} : vector<64x240xbf16>, vector<240x1024xbf16>, vector<64x1024xf32> -> vector<64x1024xf32>
    %add3A_392 = arith.addf %dot_general3A_391, %add3A : vector<64x1024xf32>
    %swap3A_393 = arith.constant 19 : index
    %swap3A_394 = arith.constant 0 : index
    %swap3A_395 = arith.constant 0 : index
    %swap3A_396 = vector.load %arg8[%swap3A_393, %swap3A_394, %swap3A_395] : memref<40x64x1024xf32, #tpu.memory_space<vmem>>, vector<1x64x1024xf32>
    %swap3A_397 = vector.shape_cast %swap3A_396 : vector<1x64x1024xf32> to vector<64x1024xf32>
    %swap3A_398 = vector.shape_cast %add3A_392 : vector<64x1024xf32> to vector<1x64x1024xf32>
    tpu.vector_store %arg8[%swap3A_393, %swap3A_394, %swap3A_395], %swap3A_398 {strides = array<i32>} : memref<40x64x1024xf32, #tpu.memory_space<vmem>>, vector<1x64x1024xf32>,
    %slice3A_399 = vector.extract_strided_slice %get3A_16 {offsets = [20, 0], sizes = [1, 1024], strides = [1, 1]} : vector<40x1024xi32> to vector<1x1024xi32>
    %broadcast_in_dim3A_400 = vector.shape_cast %slice3A_399 : vector<1x1024xi32> to vector<1x1024xi32>
    %broadcast_in_dim3A_401 = vector.broadcast %broadcast_in_dim3A_400 : vector<1x1024xi32> to vector<208x1024xi32>
    %eq3A_402 = arith.cmpi eq, %broadcast_in_dim3A_401, %iota3A : vector<208x1024xi32>
    %slice3A_403 = vector.extract_strided_slice %convert_element_type3A {offsets = [20, 0, 0], sizes = [1, 32, 1024], strides = [1, 1, 1]} : vector<40x32x1024xbf16> to vector<1x32x1024xbf16>
    %squeeze3A_404 = vector.shape_cast %slice3A_403 : vector<1x32x1024xbf16> to vector<32x1024xbf16>
    %convert_element_type3A_405 = arith.extui %eq3A_402 : vector<208x1024xi1> to vector<208x1024xi32>
    %convert_element_type3A_406 = arith.sitofp %convert_element_type3A_405 : vector<208x1024xi32> to vector<208x1024xf32>
    %convert_element_type3A_407 = arith.truncf %convert_element_type3A_406 : vector<208x1024xf32> to vector<208x1024xbf16>
    %concatenate3A_408 = tpu.concatenate %squeeze3A_404, %convert_element_type3A_407 in 0 : vector<32x1024xbf16>, vector<208x1024xbf16> -> vector<240x1024xbf16>
    %dot_general3A_409 = arith.constant dense<0.000000e+00> : vector<64x1024xf32>
    %dot_general3A_410 = tpu.matmul %concatenate3A, %concatenate3A_408, %dot_general3A_409 {dimension_numbers = #tpu.dot_dimension_numbers<[1], [0], [0], [1], [0, 0, 1, 1], [], []>, transpose_lhs_hint = false} : vector<64x240xbf16>, vector<240x1024xbf16>, vector<64x1024xf32> -> vector<64x1024xf32>
    %add3A_411 = arith.addf %dot_general3A_410, %add3A : vector<64x1024xf32>
    %swap3A_412 = arith.constant 20 : index
    %swap3A_413 = arith.constant 0 : index
    %swap3A_414 = arith.constant 0 : index
    %swap3A_415 = vector.load %arg8[%swap3A_412, %swap3A_413, %swap3A_414] : memref<40x64x1024xf32, #tpu.memory_space<vmem>>, vector<1x64x1024xf32>
    %swap3A_416 = vector.shape_cast %swap3A_415 : vector<1x64x1024xf32> to vector<64x1024xf32>
    %swap3A_417 = vector.shape_cast %add3A_411 : vector<64x1024xf32> to vector<1x64x1024xf32>
    tpu.vector_store %arg8[%swap3A_412, %swap3A_413, %swap3A_414], %swap3A_417 {strides = array<i32>} : memref<40x64x1024xf32, #tpu.memory_space<vmem>>, vector<1x64x1024xf32>,
    %slice3A_418 = vector.extract_strided_slice %get3A_16 {offsets = [21, 0], sizes = [1, 1024], strides = [1, 1]} : vector<40x1024xi32> to vector<1x1024xi32>
    %broadcast_in_dim3A_419 = vector.shape_cast %slice3A_418 : vector<1x1024xi32> to vector<1x1024xi32>
    %broadcast_in_dim3A_420 = vector.broadcast %broadcast_in_dim3A_419 : vector<1x1024xi32> to vector<208x1024xi32>
    %eq3A_421 = arith.cmpi eq, %broadcast_in_dim3A_420, %iota3A : vector<208x1024xi32>
    %slice3A_422 = vector.extract_strided_slice %convert_element_type3A {offsets = [21, 0, 0], sizes = [1, 32, 1024], strides = [1, 1, 1]} : vector<40x32x1024xbf16> to vector<1x32x1024xbf16>
    %squeeze3A_423 = vector.shape_cast %slice3A_422 : vector<1x32x1024xbf16> to vector<32x1024xbf16>
    %convert_element_type3A_424 = arith.extui %eq3A_421 : vector<208x1024xi1> to vector<208x1024xi32>
    %convert_element_type3A_425 = arith.sitofp %convert_element_type3A_424 : vector<208x1024xi32> to vector<208x1024xf32>
    %convert_element_type3A_426 = arith.truncf %convert_element_type3A_425 : vector<208x1024xf32> to vector<208x1024xbf16>
    %concatenate3A_427 = tpu.concatenate %squeeze3A_423, %convert_element_type3A_426 in 0 : vector<32x1024xbf16>, vector<208x1024xbf16> -> vector<240x1024xbf16>
    %dot_general3A_428 = arith.constant dense<0.000000e+00> : vector<64x1024xf32>
    %dot_general3A_429 = tpu.matmul %concatenate3A, %concatenate3A_427, %dot_general3A_428 {dimension_numbers = #tpu.dot_dimension_numbers<[1], [0], [0], [1], [0, 0, 1, 1], [], []>, transpose_lhs_hint = false} : vector<64x240xbf16>, vector<240x1024xbf16>, vector<64x1024xf32> -> vector<64x1024xf32>
    %add3A_430 = arith.addf %dot_general3A_429, %add3A : vector<64x1024xf32>
    %swap3A_431 = arith.constant 21 : index
    %swap3A_432 = arith.constant 0 : index
    %swap3A_433 = arith.constant 0 : index
    %swap3A_434 = vector.load %arg8[%swap3A_431, %swap3A_432, %swap3A_433] : memref<40x64x1024xf32, #tpu.memory_space<vmem>>, vector<1x64x1024xf32>
    %swap3A_435 = vector.shape_cast %swap3A_434 : vector<1x64x1024xf32> to vector<64x1024xf32>
    %swap3A_436 = vector.shape_cast %add3A_430 : vector<64x1024xf32> to vector<1x64x1024xf32>
    tpu.vector_store %arg8[%swap3A_431, %swap3A_432, %swap3A_433], %swap3A_436 {strides = array<i32>} : memref<40x64x1024xf32, #tpu.memory_space<vmem>>, vector<1x64x1024xf32>,
    %slice3A_437 = vector.extract_strided_slice %get3A_16 {offsets = [22, 0], sizes = [1, 1024], strides = [1, 1]} : vector<40x1024xi32> to vector<1x1024xi32>
    %broadcast_in_dim3A_438 = vector.shape_cast %slice3A_437 : vector<1x1024xi32> to vector<1x1024xi32>
    %broadcast_in_dim3A_439 = vector.broadcast %broadcast_in_dim3A_438 : vector<1x1024xi32> to vector<208x1024xi32>
    %eq3A_440 = arith.cmpi eq, %broadcast_in_dim3A_439, %iota3A : vector<208x1024xi32>
    %slice3A_441 = vector.extract_strided_slice %convert_element_type3A {offsets = [22, 0, 0], sizes = [1, 32, 1024], strides = [1, 1, 1]} : vector<40x32x1024xbf16> to vector<1x32x1024xbf16>
    %squeeze3A_442 = vector.shape_cast %slice3A_441 : vector<1x32x1024xbf16> to vector<32x1024xbf16>
    %convert_element_type3A_443 = arith.extui %eq3A_440 : vector<208x1024xi1> to vector<208x1024xi32>
    %convert_element_type3A_444 = arith.sitofp %convert_element_type3A_443 : vector<208x1024xi32> to vector<208x1024xf32>
    %convert_element_type3A_445 = arith.truncf %convert_element_type3A_444 : vector<208x1024xf32> to vector<208x1024xbf16>
    %concatenate3A_446 = tpu.concatenate %squeeze3A_442, %convert_element_type3A_445 in 0 : vector<32x1024xbf16>, vector<208x1024xbf16> -> vector<240x1024xbf16>
    %dot_general3A_447 = arith.constant dense<0.000000e+00> : vector<64x1024xf32>
    %dot_general3A_448 = tpu.matmul %concatenate3A, %concatenate3A_446, %dot_general3A_447 {dimension_numbers = #tpu.dot_dimension_numbers<[1], [0], [0], [1], [0, 0, 1, 1], [], []>, transpose_lhs_hint = false} : vector<64x240xbf16>, vector<240x1024xbf16>, vector<64x1024xf32> -> vector<64x1024xf32>
    %add3A_449 = arith.addf %dot_general3A_448, %add3A : vector<64x1024xf32>
    %swap3A_450 = arith.constant 22 : index
    %swap3A_451 = arith.constant 0 : index
    %swap3A_452 = arith.constant 0 : index
    %swap3A_453 = vector.load %arg8[%swap3A_450, %swap3A_451, %swap3A_452] : memref<40x64x1024xf32, #tpu.memory_space<vmem>>, vector<1x64x1024xf32>
    %swap3A_454 = vector.shape_cast %swap3A_453 : vector<1x64x1024xf32> to vector<64x1024xf32>
    %swap3A_455 = vector.shape_cast %add3A_449 : vector<64x1024xf32> to vector<1x64x1024xf32>
    tpu.vector_store %arg8[%swap3A_450, %swap3A_451, %swap3A_452], %swap3A_455 {strides = array<i32>} : memref<40x64x1024xf32, #tpu.memory_space<vmem>>, vector<1x64x1024xf32>,
    %slice3A_456 = vector.extract_strided_slice %get3A_16 {offsets = [23, 0], sizes = [1, 1024], strides = [1, 1]} : vector<40x1024xi32> to vector<1x1024xi32>
    %broadcast_in_dim3A_457 = vector.shape_cast %slice3A_456 : vector<1x1024xi32> to vector<1x1024xi32>
    %broadcast_in_dim3A_458 = vector.broadcast %broadcast_in_dim3A_457 : vector<1x1024xi32> to vector<208x1024xi32>
    %eq3A_459 = arith.cmpi eq, %broadcast_in_dim3A_458, %iota3A : vector<208x1024xi32>
    %slice3A_460 = vector.extract_strided_slice %convert_element_type3A {offsets = [23, 0, 0], sizes = [1, 32, 1024], strides = [1, 1, 1]} : vector<40x32x1024xbf16> to vector<1x32x1024xbf16>
    %squeeze3A_461 = vector.shape_cast %slice3A_460 : vector<1x32x1024xbf16> to vector<32x1024xbf16>
    %convert_element_type3A_462 = arith.extui %eq3A_459 : vector<208x1024xi1> to vector<208x1024xi32>
    %convert_element_type3A_463 = arith.sitofp %convert_element_type3A_462 : vector<208x1024xi32> to vector<208x1024xf32>
    %convert_element_type3A_464 = arith.truncf %convert_element_type3A_463 : vector<208x1024xf32> to vector<208x1024xbf16>
    %concatenate3A_465 = tpu.concatenate %squeeze3A_461, %convert_element_type3A_464 in 0 : vector<32x1024xbf16>, vector<208x1024xbf16> -> vector<240x1024xbf16>
    %dot_general3A_466 = arith.constant dense<0.000000e+00> : vector<64x1024xf32>
    %dot_general3A_467 = tpu.matmul %concatenate3A, %concatenate3A_465, %dot_general3A_466 {dimension_numbers = #tpu.dot_dimension_numbers<[1], [0], [0], [1], [0, 0, 1, 1], [], []>, transpose_lhs_hint = false} : vector<64x240xbf16>, vector<240x1024xbf16>, vector<64x1024xf32> -> vector<64x1024xf32>
    %add3A_468 = arith.addf %dot_general3A_467, %add3A : vector<64x1024xf32>
    %swap3A_469 = arith.constant 23 : index
    %swap3A_470 = arith.constant 0 : index
    %swap3A_471 = arith.constant 0 : index
    %swap3A_472 = vector.load %arg8[%swap3A_469, %swap3A_470, %swap3A_471] : memref<40x64x1024xf32, #tpu.memory_space<vmem>>, vector<1x64x1024xf32>
    %swap3A_473 = vector.shape_cast %swap3A_472 : vector<1x64x1024xf32> to vector<64x1024xf32>
    %swap3A_474 = vector.shape_cast %add3A_468 : vector<64x1024xf32> to vector<1x64x1024xf32>
    tpu.vector_store %arg8[%swap3A_469, %swap3A_470, %swap3A_471], %swap3A_474 {strides = array<i32>} : memref<40x64x1024xf32, #tpu.memory_space<vmem>>, vector<1x64x1024xf32>,
    %slice3A_475 = vector.extract_strided_slice %get3A_16 {offsets = [24, 0], sizes = [1, 1024], strides = [1, 1]} : vector<40x1024xi32> to vector<1x1024xi32>
    %broadcast_in_dim3A_476 = vector.shape_cast %slice3A_475 : vector<1x1024xi32> to vector<1x1024xi32>
    %broadcast_in_dim3A_477 = vector.broadcast %broadcast_in_dim3A_476 : vector<1x1024xi32> to vector<208x1024xi32>
    %eq3A_478 = arith.cmpi eq, %broadcast_in_dim3A_477, %iota3A : vector<208x1024xi32>
    %slice3A_479 = vector.extract_strided_slice %convert_element_type3A {offsets = [24, 0, 0], sizes = [1, 32, 1024], strides = [1, 1, 1]} : vector<40x32x1024xbf16> to vector<1x32x1024xbf16>
    %squeeze3A_480 = vector.shape_cast %slice3A_479 : vector<1x32x1024xbf16> to vector<32x1024xbf16>
    %convert_element_type3A_481 = arith.extui %eq3A_478 : vector<208x1024xi1> to vector<208x1024xi32>
    %convert_element_type3A_482 = arith.sitofp %convert_element_type3A_481 : vector<208x1024xi32> to vector<208x1024xf32>
    %convert_element_type3A_483 = arith.truncf %convert_element_type3A_482 : vector<208x1024xf32> to vector<208x1024xbf16>
    %concatenate3A_484 = tpu.concatenate %squeeze3A_480, %convert_element_type3A_483 in 0 : vector<32x1024xbf16>, vector<208x1024xbf16> -> vector<240x1024xbf16>
    %dot_general3A_485 = arith.constant dense<0.000000e+00> : vector<64x1024xf32>
    %dot_general3A_486 = tpu.matmul %concatenate3A, %concatenate3A_484, %dot_general3A_485 {dimension_numbers = #tpu.dot_dimension_numbers<[1], [0], [0], [1], [0, 0, 1, 1], [], []>, transpose_lhs_hint = false} : vector<64x240xbf16>, vector<240x1024xbf16>, vector<64x1024xf32> -> vector<64x1024xf32>
    %add3A_487 = arith.addf %dot_general3A_486, %add3A : vector<64x1024xf32>
    %swap3A_488 = arith.constant 24 : index
    %swap3A_489 = arith.constant 0 : index
    %swap3A_490 = arith.constant 0 : index
    %swap3A_491 = vector.load %arg8[%swap3A_488, %swap3A_489, %swap3A_490] : memref<40x64x1024xf32, #tpu.memory_space<vmem>>, vector<1x64x1024xf32>
    %swap3A_492 = vector.shape_cast %swap3A_491 : vector<1x64x1024xf32> to vector<64x1024xf32>
    %swap3A_493 = vector.shape_cast %add3A_487 : vector<64x1024xf32> to vector<1x64x1024xf32>
    tpu.vector_store %arg8[%swap3A_488, %swap3A_489, %swap3A_490], %swap3A_493 {strides = array<i32>} : memref<40x64x1024xf32, #tpu.memory_space<vmem>>, vector<1x64x1024xf32>,
    %slice3A_494 = vector.extract_strided_slice %get3A_16 {offsets = [25, 0], sizes = [1, 1024], strides = [1, 1]} : vector<40x1024xi32> to vector<1x1024xi32>
    %broadcast_in_dim3A_495 = vector.shape_cast %slice3A_494 : vector<1x1024xi32> to vector<1x1024xi32>
    %broadcast_in_dim3A_496 = vector.broadcast %broadcast_in_dim3A_495 : vector<1x1024xi32> to vector<208x1024xi32>
    %eq3A_497 = arith.cmpi eq, %broadcast_in_dim3A_496, %iota3A : vector<208x1024xi32>
    %slice3A_498 = vector.extract_strided_slice %convert_element_type3A {offsets = [25, 0, 0], sizes = [1, 32, 1024], strides = [1, 1, 1]} : vector<40x32x1024xbf16> to vector<1x32x1024xbf16>
    %squeeze3A_499 = vector.shape_cast %slice3A_498 : vector<1x32x1024xbf16> to vector<32x1024xbf16>
    %convert_element_type3A_500 = arith.extui %eq3A_497 : vector<208x1024xi1> to vector<208x1024xi32>
    %convert_element_type3A_501 = arith.sitofp %convert_element_type3A_500 : vector<208x1024xi32> to vector<208x1024xf32>
    %convert_element_type3A_502 = arith.truncf %convert_element_type3A_501 : vector<208x1024xf32> to vector<208x1024xbf16>
    %concatenate3A_503 = tpu.concatenate %squeeze3A_499, %convert_element_type3A_502 in 0 : vector<32x1024xbf16>, vector<208x1024xbf16> -> vector<240x1024xbf16>
    %dot_general3A_504 = arith.constant dense<0.000000e+00> : vector<64x1024xf32>
    %dot_general3A_505 = tpu.matmul %concatenate3A, %concatenate3A_503, %dot_general3A_504 {dimension_numbers = #tpu.dot_dimension_numbers<[1], [0], [0], [1], [0, 0, 1, 1], [], []>, transpose_lhs_hint = false} : vector<64x240xbf16>, vector<240x1024xbf16>, vector<64x1024xf32> -> vector<64x1024xf32>
    %add3A_506 = arith.addf %dot_general3A_505, %add3A : vector<64x1024xf32>
    %swap3A_507 = arith.constant 25 : index
    %swap3A_508 = arith.constant 0 : index
    %swap3A_509 = arith.constant 0 : index
    %swap3A_510 = vector.load %arg8[%swap3A_507, %swap3A_508, %swap3A_509] : memref<40x64x1024xf32, #tpu.memory_space<vmem>>, vector<1x64x1024xf32>
    %swap3A_511 = vector.shape_cast %swap3A_510 : vector<1x64x1024xf32> to vector<64x1024xf32>
    %swap3A_512 = vector.shape_cast %add3A_506 : vector<64x1024xf32> to vector<1x64x1024xf32>
    tpu.vector_store %arg8[%swap3A_507, %swap3A_508, %swap3A_509], %swap3A_512 {strides = array<i32>} : memref<40x64x1024xf32, #tpu.memory_space<vmem>>, vector<1x64x1024xf32>,
    %slice3A_513 = vector.extract_strided_slice %get3A_16 {offsets = [26, 0], sizes = [1, 1024], strides = [1, 1]} : vector<40x1024xi32> to vector<1x1024xi32>
    %broadcast_in_dim3A_514 = vector.shape_cast %slice3A_513 : vector<1x1024xi32> to vector<1x1024xi32>
    %broadcast_in_dim3A_515 = vector.broadcast %broadcast_in_dim3A_514 : vector<1x1024xi32> to vector<208x1024xi32>
    %eq3A_516 = arith.cmpi eq, %broadcast_in_dim3A_515, %iota3A : vector<208x1024xi32>
    %slice3A_517 = vector.extract_strided_slice %convert_element_type3A {offsets = [26, 0, 0], sizes = [1, 32, 1024], strides = [1, 1, 1]} : vector<40x32x1024xbf16> to vector<1x32x1024xbf16>
    %squeeze3A_518 = vector.shape_cast %slice3A_517 : vector<1x32x1024xbf16> to vector<32x1024xbf16>
    %convert_element_type3A_519 = arith.extui %eq3A_516 : vector<208x1024xi1> to vector<208x1024xi32>
    %convert_element_type3A_520 = arith.sitofp %convert_element_type3A_519 : vector<208x1024xi32> to vector<208x1024xf32>
    %convert_element_type3A_521 = arith.truncf %convert_element_type3A_520 : vector<208x1024xf32> to vector<208x1024xbf16>
    %concatenate3A_522 = tpu.concatenate %squeeze3A_518, %convert_element_type3A_521 in 0 : vector<32x1024xbf16>, vector<208x1024xbf16> -> vector<240x1024xbf16>
    %dot_general3A_523 = arith.constant dense<0.000000e+00> : vector<64x1024xf32>
    %dot_general3A_524 = tpu.matmul %concatenate3A, %concatenate3A_522, %dot_general3A_523 {dimension_numbers = #tpu.dot_dimension_numbers<[1], [0], [0], [1], [0, 0, 1, 1], [], []>, transpose_lhs_hint = false} : vector<64x240xbf16>, vector<240x1024xbf16>, vector<64x1024xf32> -> vector<64x1024xf32>
    %add3A_525 = arith.addf %dot_general3A_524, %add3A : vector<64x1024xf32>
    %swap3A_526 = arith.constant 26 : index
    %swap3A_527 = arith.constant 0 : index
    %swap3A_528 = arith.constant 0 : index
    %swap3A_529 = vector.load %arg8[%swap3A_526, %swap3A_527, %swap3A_528] : memref<40x64x1024xf32, #tpu.memory_space<vmem>>, vector<1x64x1024xf32>
    %swap3A_530 = vector.shape_cast %swap3A_529 : vector<1x64x1024xf32> to vector<64x1024xf32>
    %swap3A_531 = vector.shape_cast %add3A_525 : vector<64x1024xf32> to vector<1x64x1024xf32>
    tpu.vector_store %arg8[%swap3A_526, %swap3A_527, %swap3A_528], %swap3A_531 {strides = array<i32>} : memref<40x64x1024xf32, #tpu.memory_space<vmem>>, vector<1x64x1024xf32>,
    %slice3A_532 = vector.extract_strided_slice %get3A_16 {offsets = [27, 0], sizes = [1, 1024], strides = [1, 1]} : vector<40x1024xi32> to vector<1x1024xi32>
    %broadcast_in_dim3A_533 = vector.shape_cast %slice3A_532 : vector<1x1024xi32> to vector<1x1024xi32>
    %broadcast_in_dim3A_534 = vector.broadcast %broadcast_in_dim3A_533 : vector<1x1024xi32> to vector<208x1024xi32>
    %eq3A_535 = arith.cmpi eq, %broadcast_in_dim3A_534, %iota3A : vector<208x1024xi32>
    %slice3A_536 = vector.extract_strided_slice %convert_element_type3A {offsets = [27, 0, 0], sizes = [1, 32, 1024], strides = [1, 1, 1]} : vector<40x32x1024xbf16> to vector<1x32x1024xbf16>
    %squeeze3A_537 = vector.shape_cast %slice3A_536 : vector<1x32x1024xbf16> to vector<32x1024xbf16>
    %convert_element_type3A_538 = arith.extui %eq3A_535 : vector<208x1024xi1> to vector<208x1024xi32>
    %convert_element_type3A_539 = arith.sitofp %convert_element_type3A_538 : vector<208x1024xi32> to vector<208x1024xf32>
    %convert_element_type3A_540 = arith.truncf %convert_element_type3A_539 : vector<208x1024xf32> to vector<208x1024xbf16>
    %concatenate3A_541 = tpu.concatenate %squeeze3A_537, %convert_element_type3A_540 in 0 : vector<32x1024xbf16>, vector<208x1024xbf16> -> vector<240x1024xbf16>
    %dot_general3A_542 = arith.constant dense<0.000000e+00> : vector<64x1024xf32>
    %dot_general3A_543 = tpu.matmul %concatenate3A, %concatenate3A_541, %dot_general3A_542 {dimension_numbers = #tpu.dot_dimension_numbers<[1], [0], [0], [1], [0, 0, 1, 1], [], []>, transpose_lhs_hint = false} : vector<64x240xbf16>, vector<240x1024xbf16>, vector<64x1024xf32> -> vector<64x1024xf32>
    %add3A_544 = arith.addf %dot_general3A_543, %add3A : vector<64x1024xf32>
    %swap3A_545 = arith.constant 27 : index
    %swap3A_546 = arith.constant 0 : index
    %swap3A_547 = arith.constant 0 : index
    %swap3A_548 = vector.load %arg8[%swap3A_545, %swap3A_546, %swap3A_547] : memref<40x64x1024xf32, #tpu.memory_space<vmem>>, vector<1x64x1024xf32>
    %swap3A_549 = vector.shape_cast %swap3A_548 : vector<1x64x1024xf32> to vector<64x1024xf32>
    %swap3A_550 = vector.shape_cast %add3A_544 : vector<64x1024xf32> to vector<1x64x1024xf32>
    tpu.vector_store %arg8[%swap3A_545, %swap3A_546, %swap3A_547], %swap3A_550 {strides = array<i32>} : memref<40x64x1024xf32, #tpu.memory_space<vmem>>, vector<1x64x1024xf32>,
    %slice3A_551 = vector.extract_strided_slice %get3A_16 {offsets = [28, 0], sizes = [1, 1024], strides = [1, 1]} : vector<40x1024xi32> to vector<1x1024xi32>
    %broadcast_in_dim3A_552 = vector.shape_cast %slice3A_551 : vector<1x1024xi32> to vector<1x1024xi32>
    %broadcast_in_dim3A_553 = vector.broadcast %broadcast_in_dim3A_552 : vector<1x1024xi32> to vector<208x1024xi32>
    %eq3A_554 = arith.cmpi eq, %broadcast_in_dim3A_553, %iota3A : vector<208x1024xi32>
    %slice3A_555 = vector.extract_strided_slice %convert_element_type3A {offsets = [28, 0, 0], sizes = [1, 32, 1024], strides = [1, 1, 1]} : vector<40x32x1024xbf16> to vector<1x32x1024xbf16>
    %squeeze3A_556 = vector.shape_cast %slice3A_555 : vector<1x32x1024xbf16> to vector<32x1024xbf16>
    %convert_element_type3A_557 = arith.extui %eq3A_554 : vector<208x1024xi1> to vector<208x1024xi32>
    %convert_element_type3A_558 = arith.sitofp %convert_element_type3A_557 : vector<208x1024xi32> to vector<208x1024xf32>
    %convert_element_type3A_559 = arith.truncf %convert_element_type3A_558 : vector<208x1024xf32> to vector<208x1024xbf16>
    %concatenate3A_560 = tpu.concatenate %squeeze3A_556, %convert_element_type3A_559 in 0 : vector<32x1024xbf16>, vector<208x1024xbf16> -> vector<240x1024xbf16>
    %dot_general3A_561 = arith.constant dense<0.000000e+00> : vector<64x1024xf32>
    %dot_general3A_562 = tpu.matmul %concatenate3A, %concatenate3A_560, %dot_general3A_561 {dimension_numbers = #tpu.dot_dimension_numbers<[1], [0], [0], [1], [0, 0, 1, 1], [], []>, transpose_lhs_hint = false} : vector<64x240xbf16>, vector<240x1024xbf16>, vector<64x1024xf32> -> vector<64x1024xf32>
    %add3A_563 = arith.addf %dot_general3A_562, %add3A : vector<64x1024xf32>
    %swap3A_564 = arith.constant 28 : index
    %swap3A_565 = arith.constant 0 : index
    %swap3A_566 = arith.constant 0 : index
    %swap3A_567 = vector.load %arg8[%swap3A_564, %swap3A_565, %swap3A_566] : memref<40x64x1024xf32, #tpu.memory_space<vmem>>, vector<1x64x1024xf32>
    %swap3A_568 = vector.shape_cast %swap3A_567 : vector<1x64x1024xf32> to vector<64x1024xf32>
    %swap3A_569 = vector.shape_cast %add3A_563 : vector<64x1024xf32> to vector<1x64x1024xf32>
    tpu.vector_store %arg8[%swap3A_564, %swap3A_565, %swap3A_566], %swap3A_569 {strides = array<i32>} : memref<40x64x1024xf32, #tpu.memory_space<vmem>>, vector<1x64x1024xf32>,
    %slice3A_570 = vector.extract_strided_slice %get3A_16 {offsets = [29, 0], sizes = [1, 1024], strides = [1, 1]} : vector<40x1024xi32> to vector<1x1024xi32>
    %broadcast_in_dim3A_571 = vector.shape_cast %slice3A_570 : vector<1x1024xi32> to vector<1x1024xi32>
    %broadcast_in_dim3A_572 = vector.broadcast %broadcast_in_dim3A_571 : vector<1x1024xi32> to vector<208x1024xi32>
    %eq3A_573 = arith.cmpi eq, %broadcast_in_dim3A_572, %iota3A : vector<208x1024xi32>
    %slice3A_574 = vector.extract_strided_slice %convert_element_type3A {offsets = [29, 0, 0], sizes = [1, 32, 1024], strides = [1, 1, 1]} : vector<40x32x1024xbf16> to vector<1x32x1024xbf16>
    %squeeze3A_575 = vector.shape_cast %slice3A_574 : vector<1x32x1024xbf16> to vector<32x1024xbf16>
    %convert_element_type3A_576 = arith.extui %eq3A_573 : vector<208x1024xi1> to vector<208x1024xi32>
    %convert_element_type3A_577 = arith.sitofp %convert_element_type3A_576 : vector<208x1024xi32> to vector<208x1024xf32>
    %convert_element_type3A_578 = arith.truncf %convert_element_type3A_577 : vector<208x1024xf32> to vector<208x1024xbf16>
    %concatenate3A_579 = tpu.concatenate %squeeze3A_575, %convert_element_type3A_578 in 0 : vector<32x1024xbf16>, vector<208x1024xbf16> -> vector<240x1024xbf16>
    %dot_general3A_580 = arith.constant dense<0.000000e+00> : vector<64x1024xf32>
    %dot_general3A_581 = tpu.matmul %concatenate3A, %concatenate3A_579, %dot_general3A_580 {dimension_numbers = #tpu.dot_dimension_numbers<[1], [0], [0], [1], [0, 0, 1, 1], [], []>, transpose_lhs_hint = false} : vector<64x240xbf16>, vector<240x1024xbf16>, vector<64x1024xf32> -> vector<64x1024xf32>
    %add3A_582 = arith.addf %dot_general3A_581, %add3A : vector<64x1024xf32>
    %swap3A_583 = arith.constant 29 : index
    %swap3A_584 = arith.constant 0 : index
    %swap3A_585 = arith.constant 0 : index
    %swap3A_586 = vector.load %arg8[%swap3A_583, %swap3A_584, %swap3A_585] : memref<40x64x1024xf32, #tpu.memory_space<vmem>>, vector<1x64x1024xf32>
    %swap3A_587 = vector.shape_cast %swap3A_586 : vector<1x64x1024xf32> to vector<64x1024xf32>
    %swap3A_588 = vector.shape_cast %add3A_582 : vector<64x1024xf32> to vector<1x64x1024xf32>
    tpu.vector_store %arg8[%swap3A_583, %swap3A_584, %swap3A_585], %swap3A_588 {strides = array<i32>} : memref<40x64x1024xf32, #tpu.memory_space<vmem>>, vector<1x64x1024xf32>,
    %slice3A_589 = vector.extract_strided_slice %get3A_16 {offsets = [30, 0], sizes = [1, 1024], strides = [1, 1]} : vector<40x1024xi32> to vector<1x1024xi32>
    %broadcast_in_dim3A_590 = vector.shape_cast %slice3A_589 : vector<1x1024xi32> to vector<1x1024xi32>
    %broadcast_in_dim3A_591 = vector.broadcast %broadcast_in_dim3A_590 : vector<1x1024xi32> to vector<208x1024xi32>
    %eq3A_592 = arith.cmpi eq, %broadcast_in_dim3A_591, %iota3A : vector<208x1024xi32>
    %slice3A_593 = vector.extract_strided_slice %convert_element_type3A {offsets = [30, 0, 0], sizes = [1, 32, 1024], strides = [1, 1, 1]} : vector<40x32x1024xbf16> to vector<1x32x1024xbf16>
    %squeeze3A_594 = vector.shape_cast %slice3A_593 : vector<1x32x1024xbf16> to vector<32x1024xbf16>
    %convert_element_type3A_595 = arith.extui %eq3A_592 : vector<208x1024xi1> to vector<208x1024xi32>
    %convert_element_type3A_596 = arith.sitofp %convert_element_type3A_595 : vector<208x1024xi32> to vector<208x1024xf32>
    %convert_element_type3A_597 = arith.truncf %convert_element_type3A_596 : vector<208x1024xf32> to vector<208x1024xbf16>
    %concatenate3A_598 = tpu.concatenate %squeeze3A_594, %convert_element_type3A_597 in 0 : vector<32x1024xbf16>, vector<208x1024xbf16> -> vector<240x1024xbf16>
    %dot_general3A_599 = arith.constant dense<0.000000e+00> : vector<64x1024xf32>
    %dot_general3A_600 = tpu.matmul %concatenate3A, %concatenate3A_598, %dot_general3A_599 {dimension_numbers = #tpu.dot_dimension_numbers<[1], [0], [0], [1], [0, 0, 1, 1], [], []>, transpose_lhs_hint = false} : vector<64x240xbf16>, vector<240x1024xbf16>, vector<64x1024xf32> -> vector<64x1024xf32>
    %add3A_601 = arith.addf %dot_general3A_600, %add3A : vector<64x1024xf32>
    %swap3A_602 = arith.constant 30 : index
    %swap3A_603 = arith.constant 0 : index
    %swap3A_604 = arith.constant 0 : index
    %swap3A_605 = vector.load %arg8[%swap3A_602, %swap3A_603, %swap3A_604] : memref<40x64x1024xf32, #tpu.memory_space<vmem>>, vector<1x64x1024xf32>
    %swap3A_606 = vector.shape_cast %swap3A_605 : vector<1x64x1024xf32> to vector<64x1024xf32>
    %swap3A_607 = vector.shape_cast %add3A_601 : vector<64x1024xf32> to vector<1x64x1024xf32>
    tpu.vector_store %arg8[%swap3A_602, %swap3A_603, %swap3A_604], %swap3A_607 {strides = array<i32>} : memref<40x64x1024xf32, #tpu.memory_space<vmem>>, vector<1x64x1024xf32>,
    %slice3A_608 = vector.extract_strided_slice %get3A_16 {offsets = [31, 0], sizes = [1, 1024], strides = [1, 1]} : vector<40x1024xi32> to vector<1x1024xi32>
    %broadcast_in_dim3A_609 = vector.shape_cast %slice3A_608 : vector<1x1024xi32> to vector<1x1024xi32>
    %broadcast_in_dim3A_610 = vector.broadcast %broadcast_in_dim3A_609 : vector<1x1024xi32> to vector<208x1024xi32>
    %eq3A_611 = arith.cmpi eq, %broadcast_in_dim3A_610, %iota3A : vector<208x1024xi32>
    %slice3A_612 = vector.extract_strided_slice %convert_element_type3A {offsets = [31, 0, 0], sizes = [1, 32, 1024], strides = [1, 1, 1]} : vector<40x32x1024xbf16> to vector<1x32x1024xbf16>
    %squeeze3A_613 = vector.shape_cast %slice3A_612 : vector<1x32x1024xbf16> to vector<32x1024xbf16>
    %convert_element_type3A_614 = arith.extui %eq3A_611 : vector<208x1024xi1> to vector<208x1024xi32>
    %convert_element_type3A_615 = arith.sitofp %convert_element_type3A_614 : vector<208x1024xi32> to vector<208x1024xf32>
    %convert_element_type3A_616 = arith.truncf %convert_element_type3A_615 : vector<208x1024xf32> to vector<208x1024xbf16>
    %concatenate3A_617 = tpu.concatenate %squeeze3A_613, %convert_element_type3A_616 in 0 : vector<32x1024xbf16>, vector<208x1024xbf16> -> vector<240x1024xbf16>
    %dot_general3A_618 = arith.constant dense<0.000000e+00> : vector<64x1024xf32>
    %dot_general3A_619 = tpu.matmul %concatenate3A, %concatenate3A_617, %dot_general3A_618 {dimension_numbers = #tpu.dot_dimension_numbers<[1], [0], [0], [1], [0, 0, 1, 1], [], []>, transpose_lhs_hint = false} : vector<64x240xbf16>, vector<240x1024xbf16>, vector<64x1024xf32> -> vector<64x1024xf32>
    %add3A_620 = arith.addf %dot_general3A_619, %add3A : vector<64x1024xf32>
    %swap3A_621 = arith.constant 31 : index
    %swap3A_622 = arith.constant 0 : index
    %swap3A_623 = arith.constant 0 : index
    %swap3A_624 = vector.load %arg8[%swap3A_621, %swap3A_622, %swap3A_623] : memref<40x64x1024xf32, #tpu.memory_space<vmem>>, vector<1x64x1024xf32>
    %swap3A_625 = vector.shape_cast %swap3A_624 : vector<1x64x1024xf32> to vector<64x1024xf32>
    %swap3A_626 = vector.shape_cast %add3A_620 : vector<64x1024xf32> to vector<1x64x1024xf32>
    tpu.vector_store %arg8[%swap3A_621, %swap3A_622, %swap3A_623], %swap3A_626 {strides = array<i32>} : memref<40x64x1024xf32, #tpu.memory_space<vmem>>, vector<1x64x1024xf32>,
    %slice3A_627 = vector.extract_strided_slice %get3A_16 {offsets = [32, 0], sizes = [1, 1024], strides = [1, 1]} : vector<40x1024xi32> to vector<1x1024xi32>
    %broadcast_in_dim3A_628 = vector.shape_cast %slice3A_627 : vector<1x1024xi32> to vector<1x1024xi32>
    %broadcast_in_dim3A_629 = vector.broadcast %broadcast_in_dim3A_628 : vector<1x1024xi32> to vector<208x1024xi32>
    %eq3A_630 = arith.cmpi eq, %broadcast_in_dim3A_629, %iota3A : vector<208x1024xi32>
    %slice3A_631 = vector.extract_strided_slice %convert_element_type3A {offsets = [32, 0, 0], sizes = [1, 32, 1024], strides = [1, 1, 1]} : vector<40x32x1024xbf16> to vector<1x32x1024xbf16>
    %squeeze3A_632 = vector.shape_cast %slice3A_631 : vector<1x32x1024xbf16> to vector<32x1024xbf16>
    %convert_element_type3A_633 = arith.extui %eq3A_630 : vector<208x1024xi1> to vector<208x1024xi32>
    %convert_element_type3A_634 = arith.sitofp %convert_element_type3A_633 : vector<208x1024xi32> to vector<208x1024xf32>
    %convert_element_type3A_635 = arith.truncf %convert_element_type3A_634 : vector<208x1024xf32> to vector<208x1024xbf16>
    %concatenate3A_636 = tpu.concatenate %squeeze3A_632, %convert_element_type3A_635 in 0 : vector<32x1024xbf16>, vector<208x1024xbf16> -> vector<240x1024xbf16>
    %dot_general3A_637 = arith.constant dense<0.000000e+00> : vector<64x1024xf32>
    %dot_general3A_638 = tpu.matmul %concatenate3A, %concatenate3A_636, %dot_general3A_637 {dimension_numbers = #tpu.dot_dimension_numbers<[1], [0], [0], [1], [0, 0, 1, 1], [], []>, transpose_lhs_hint = false} : vector<64x240xbf16>, vector<240x1024xbf16>, vector<64x1024xf32> -> vector<64x1024xf32>
    %add3A_639 = arith.addf %dot_general3A_638, %add3A : vector<64x1024xf32>
    %swap3A_640 = arith.constant 32 : index
    %swap3A_641 = arith.constant 0 : index
    %swap3A_642 = arith.constant 0 : index
    %swap3A_643 = vector.load %arg8[%swap3A_640, %swap3A_641, %swap3A_642] : memref<40x64x1024xf32, #tpu.memory_space<vmem>>, vector<1x64x1024xf32>
    %swap3A_644 = vector.shape_cast %swap3A_643 : vector<1x64x1024xf32> to vector<64x1024xf32>
    %swap3A_645 = vector.shape_cast %add3A_639 : vector<64x1024xf32> to vector<1x64x1024xf32>
    tpu.vector_store %arg8[%swap3A_640, %swap3A_641, %swap3A_642], %swap3A_645 {strides = array<i32>} : memref<40x64x1024xf32, #tpu.memory_space<vmem>>, vector<1x64x1024xf32>,
    %slice3A_646 = vector.extract_strided_slice %get3A_16 {offsets = [33, 0], sizes = [1, 1024], strides = [1, 1]} : vector<40x1024xi32> to vector<1x1024xi32>
    %broadcast_in_dim3A_647 = vector.shape_cast %slice3A_646 : vector<1x1024xi32> to vector<1x1024xi32>
    %broadcast_in_dim3A_648 = vector.broadcast %broadcast_in_dim3A_647 : vector<1x1024xi32> to vector<208x1024xi32>
    %eq3A_649 = arith.cmpi eq, %broadcast_in_dim3A_648, %iota3A : vector<208x1024xi32>
    %slice3A_650 = vector.extract_strided_slice %convert_element_type3A {offsets = [33, 0, 0], sizes = [1, 32, 1024], strides = [1, 1, 1]} : vector<40x32x1024xbf16> to vector<1x32x1024xbf16>
    %squeeze3A_651 = vector.shape_cast %slice3A_650 : vector<1x32x1024xbf16> to vector<32x1024xbf16>
    %convert_element_type3A_652 = arith.extui %eq3A_649 : vector<208x1024xi1> to vector<208x1024xi32>
    %convert_element_type3A_653 = arith.sitofp %convert_element_type3A_652 : vector<208x1024xi32> to vector<208x1024xf32>
    %convert_element_type3A_654 = arith.truncf %convert_element_type3A_653 : vector<208x1024xf32> to vector<208x1024xbf16>
    %concatenate3A_655 = tpu.concatenate %squeeze3A_651, %convert_element_type3A_654 in 0 : vector<32x1024xbf16>, vector<208x1024xbf16> -> vector<240x1024xbf16>
    %dot_general3A_656 = arith.constant dense<0.000000e+00> : vector<64x1024xf32>
    %dot_general3A_657 = tpu.matmul %concatenate3A, %concatenate3A_655, %dot_general3A_656 {dimension_numbers = #tpu.dot_dimension_numbers<[1], [0], [0], [1], [0, 0, 1, 1], [], []>, transpose_lhs_hint = false} : vector<64x240xbf16>, vector<240x1024xbf16>, vector<64x1024xf32> -> vector<64x1024xf32>
    %add3A_658 = arith.addf %dot_general3A_657, %add3A : vector<64x1024xf32>
    %swap3A_659 = arith.constant 33 : index
    %swap3A_660 = arith.constant 0 : index
    %swap3A_661 = arith.constant 0 : index
    %swap3A_662 = vector.load %arg8[%swap3A_659, %swap3A_660, %swap3A_661] : memref<40x64x1024xf32, #tpu.memory_space<vmem>>, vector<1x64x1024xf32>
    %swap3A_663 = vector.shape_cast %swap3A_662 : vector<1x64x1024xf32> to vector<64x1024xf32>
    %swap3A_664 = vector.shape_cast %add3A_658 : vector<64x1024xf32> to vector<1x64x1024xf32>
    tpu.vector_store %arg8[%swap3A_659, %swap3A_660, %swap3A_661], %swap3A_664 {strides = array<i32>} : memref<40x64x1024xf32, #tpu.memory_space<vmem>>, vector<1x64x1024xf32>,
    %slice3A_665 = vector.extract_strided_slice %get3A_16 {offsets = [34, 0], sizes = [1, 1024], strides = [1, 1]} : vector<40x1024xi32> to vector<1x1024xi32>
    %broadcast_in_dim3A_666 = vector.shape_cast %slice3A_665 : vector<1x1024xi32> to vector<1x1024xi32>
    %broadcast_in_dim3A_667 = vector.broadcast %broadcast_in_dim3A_666 : vector<1x1024xi32> to vector<208x1024xi32>
    %eq3A_668 = arith.cmpi eq, %broadcast_in_dim3A_667, %iota3A : vector<208x1024xi32>
    %slice3A_669 = vector.extract_strided_slice %convert_element_type3A {offsets = [34, 0, 0], sizes = [1, 32, 1024], strides = [1, 1, 1]} : vector<40x32x1024xbf16> to vector<1x32x1024xbf16>
    %squeeze3A_670 = vector.shape_cast %slice3A_669 : vector<1x32x1024xbf16> to vector<32x1024xbf16>
    %convert_element_type3A_671 = arith.extui %eq3A_668 : vector<208x1024xi1> to vector<208x1024xi32>
    %convert_element_type3A_672 = arith.sitofp %convert_element_type3A_671 : vector<208x1024xi32> to vector<208x1024xf32>
    %convert_element_type3A_673 = arith.truncf %convert_element_type3A_672 : vector<208x1024xf32> to vector<208x1024xbf16>
    %concatenate3A_674 = tpu.concatenate %squeeze3A_670, %convert_element_type3A_673 in 0 : vector<32x1024xbf16>, vector<208x1024xbf16> -> vector<240x1024xbf16>
    %dot_general3A_675 = arith.constant dense<0.000000e+00> : vector<64x1024xf32>
    %dot_general3A_676 = tpu.matmul %concatenate3A, %concatenate3A_674, %dot_general3A_675 {dimension_numbers = #tpu.dot_dimension_numbers<[1], [0], [0], [1], [0, 0, 1, 1], [], []>, transpose_lhs_hint = false} : vector<64x240xbf16>, vector<240x1024xbf16>, vector<64x1024xf32> -> vector<64x1024xf32>
    %add3A_677 = arith.addf %dot_general3A_676, %add3A : vector<64x1024xf32>
    %swap3A_678 = arith.constant 34 : index
    %swap3A_679 = arith.constant 0 : index
    %swap3A_680 = arith.constant 0 : index
    %swap3A_681 = vector.load %arg8[%swap3A_678, %swap3A_679, %swap3A_680] : memref<40x64x1024xf32, #tpu.memory_space<vmem>>, vector<1x64x1024xf32>
    %swap3A_682 = vector.shape_cast %swap3A_681 : vector<1x64x1024xf32> to vector<64x1024xf32>
    %swap3A_683 = vector.shape_cast %add3A_677 : vector<64x1024xf32> to vector<1x64x1024xf32>
    tpu.vector_store %arg8[%swap3A_678, %swap3A_679, %swap3A_680], %swap3A_683 {strides = array<i32>} : memref<40x64x1024xf32, #tpu.memory_space<vmem>>, vector<1x64x1024xf32>,
    %slice3A_684 = vector.extract_strided_slice %get3A_16 {offsets = [35, 0], sizes = [1, 1024], strides = [1, 1]} : vector<40x1024xi32> to vector<1x1024xi32>
    %broadcast_in_dim3A_685 = vector.shape_cast %slice3A_684 : vector<1x1024xi32> to vector<1x1024xi32>
    %broadcast_in_dim3A_686 = vector.broadcast %broadcast_in_dim3A_685 : vector<1x1024xi32> to vector<208x1024xi32>
    %eq3A_687 = arith.cmpi eq, %broadcast_in_dim3A_686, %iota3A : vector<208x1024xi32>
    %slice3A_688 = vector.extract_strided_slice %convert_element_type3A {offsets = [35, 0, 0], sizes = [1, 32, 1024], strides = [1, 1, 1]} : vector<40x32x1024xbf16> to vector<1x32x1024xbf16>
    %squeeze3A_689 = vector.shape_cast %slice3A_688 : vector<1x32x1024xbf16> to vector<32x1024xbf16>
    %convert_element_type3A_690 = arith.extui %eq3A_687 : vector<208x1024xi1> to vector<208x1024xi32>
    %convert_element_type3A_691 = arith.sitofp %convert_element_type3A_690 : vector<208x1024xi32> to vector<208x1024xf32>
    %convert_element_type3A_692 = arith.truncf %convert_element_type3A_691 : vector<208x1024xf32> to vector<208x1024xbf16>
    %concatenate3A_693 = tpu.concatenate %squeeze3A_689, %convert_element_type3A_692 in 0 : vector<32x1024xbf16>, vector<208x1024xbf16> -> vector<240x1024xbf16>
    %dot_general3A_694 = arith.constant dense<0.000000e+00> : vector<64x1024xf32>
    %dot_general3A_695 = tpu.matmul %concatenate3A, %concatenate3A_693, %dot_general3A_694 {dimension_numbers = #tpu.dot_dimension_numbers<[1], [0], [0], [1], [0, 0, 1, 1], [], []>, transpose_lhs_hint = false} : vector<64x240xbf16>, vector<240x1024xbf16>, vector<64x1024xf32> -> vector<64x1024xf32>
    %add3A_696 = arith.addf %dot_general3A_695, %add3A : vector<64x1024xf32>
    %swap3A_697 = arith.constant 35 : index
    %swap3A_698 = arith.constant 0 : index
    %swap3A_699 = arith.constant 0 : index
    %swap3A_700 = vector.load %arg8[%swap3A_697, %swap3A_698, %swap3A_699] : memref<40x64x1024xf32, #tpu.memory_space<vmem>>, vector<1x64x1024xf32>
    %swap3A_701 = vector.shape_cast %swap3A_700 : vector<1x64x1024xf32> to vector<64x1024xf32>
    %swap3A_702 = vector.shape_cast %add3A_696 : vector<64x1024xf32> to vector<1x64x1024xf32>
    tpu.vector_store %arg8[%swap3A_697, %swap3A_698, %swap3A_699], %swap3A_702 {strides = array<i32>} : memref<40x64x1024xf32, #tpu.memory_space<vmem>>, vector<1x64x1024xf32>,
    %slice3A_703 = vector.extract_strided_slice %get3A_16 {offsets = [36, 0], sizes = [1, 1024], strides = [1, 1]} : vector<40x1024xi32> to vector<1x1024xi32>
    %broadcast_in_dim3A_704 = vector.shape_cast %slice3A_703 : vector<1x1024xi32> to vector<1x1024xi32>
    %broadcast_in_dim3A_705 = vector.broadcast %broadcast_in_dim3A_704 : vector<1x1024xi32> to vector<208x1024xi32>
    %eq3A_706 = arith.cmpi eq, %broadcast_in_dim3A_705, %iota3A : vector<208x1024xi32>
    %slice3A_707 = vector.extract_strided_slice %convert_element_type3A {offsets = [36, 0, 0], sizes = [1, 32, 1024], strides = [1, 1, 1]} : vector<40x32x1024xbf16> to vector<1x32x1024xbf16>
    %squeeze3A_708 = vector.shape_cast %slice3A_707 : vector<1x32x1024xbf16> to vector<32x1024xbf16>
    %convert_element_type3A_709 = arith.extui %eq3A_706 : vector<208x1024xi1> to vector<208x1024xi32>
    %convert_element_type3A_710 = arith.sitofp %convert_element_type3A_709 : vector<208x1024xi32> to vector<208x1024xf32>
    %convert_element_type3A_711 = arith.truncf %convert_element_type3A_710 : vector<208x1024xf32> to vector<208x1024xbf16>
    %concatenate3A_712 = tpu.concatenate %squeeze3A_708, %convert_element_type3A_711 in 0 : vector<32x1024xbf16>, vector<208x1024xbf16> -> vector<240x1024xbf16>
    %dot_general3A_713 = arith.constant dense<0.000000e+00> : vector<64x1024xf32>
    %dot_general3A_714 = tpu.matmul %concatenate3A, %concatenate3A_712, %dot_general3A_713 {dimension_numbers = #tpu.dot_dimension_numbers<[1], [0], [0], [1], [0, 0, 1, 1], [], []>, transpose_lhs_hint = false} : vector<64x240xbf16>, vector<240x1024xbf16>, vector<64x1024xf32> -> vector<64x1024xf32>
    %add3A_715 = arith.addf %dot_general3A_714, %add3A : vector<64x1024xf32>
    %swap3A_716 = arith.constant 36 : index
    %swap3A_717 = arith.constant 0 : index
    %swap3A_718 = arith.constant 0 : index
    %swap3A_719 = vector.load %arg8[%swap3A_716, %swap3A_717, %swap3A_718] : memref<40x64x1024xf32, #tpu.memory_space<vmem>>, vector<1x64x1024xf32>
    %swap3A_720 = vector.shape_cast %swap3A_719 : vector<1x64x1024xf32> to vector<64x1024xf32>
    %swap3A_721 = vector.shape_cast %add3A_715 : vector<64x1024xf32> to vector<1x64x1024xf32>
    tpu.vector_store %arg8[%swap3A_716, %swap3A_717, %swap3A_718], %swap3A_721 {strides = array<i32>} : memref<40x64x1024xf32, #tpu.memory_space<vmem>>, vector<1x64x1024xf32>,
    %slice3A_722 = vector.extract_strided_slice %get3A_16 {offsets = [37, 0], sizes = [1, 1024], strides = [1, 1]} : vector<40x1024xi32> to vector<1x1024xi32>
    %broadcast_in_dim3A_723 = vector.shape_cast %slice3A_722 : vector<1x1024xi32> to vector<1x1024xi32>
    %broadcast_in_dim3A_724 = vector.broadcast %broadcast_in_dim3A_723 : vector<1x1024xi32> to vector<208x1024xi32>
    %eq3A_725 = arith.cmpi eq, %broadcast_in_dim3A_724, %iota3A : vector<208x1024xi32>
    %slice3A_726 = vector.extract_strided_slice %convert_element_type3A {offsets = [37, 0, 0], sizes = [1, 32, 1024], strides = [1, 1, 1]} : vector<40x32x1024xbf16> to vector<1x32x1024xbf16>
    %squeeze3A_727 = vector.shape_cast %slice3A_726 : vector<1x32x1024xbf16> to vector<32x1024xbf16>
    %convert_element_type3A_728 = arith.extui %eq3A_725 : vector<208x1024xi1> to vector<208x1024xi32>
    %convert_element_type3A_729 = arith.sitofp %convert_element_type3A_728 : vector<208x1024xi32> to vector<208x1024xf32>
    %convert_element_type3A_730 = arith.truncf %convert_element_type3A_729 : vector<208x1024xf32> to vector<208x1024xbf16>
    %concatenate3A_731 = tpu.concatenate %squeeze3A_727, %convert_element_type3A_730 in 0 : vector<32x1024xbf16>, vector<208x1024xbf16> -> vector<240x1024xbf16>
    %dot_general3A_732 = arith.constant dense<0.000000e+00> : vector<64x1024xf32>
    %dot_general3A_733 = tpu.matmul %concatenate3A, %concatenate3A_731, %dot_general3A_732 {dimension_numbers = #tpu.dot_dimension_numbers<[1], [0], [0], [1], [0, 0, 1, 1], [], []>, transpose_lhs_hint = false} : vector<64x240xbf16>, vector<240x1024xbf16>, vector<64x1024xf32> -> vector<64x1024xf32>
    %add3A_734 = arith.addf %dot_general3A_733, %add3A : vector<64x1024xf32>
    %swap3A_735 = arith.constant 37 : index
    %swap3A_736 = arith.constant 0 : index
    %swap3A_737 = arith.constant 0 : index
    %swap3A_738 = vector.load %arg8[%swap3A_735, %swap3A_736, %swap3A_737] : memref<40x64x1024xf32, #tpu.memory_space<vmem>>, vector<1x64x1024xf32>
    %swap3A_739 = vector.shape_cast %swap3A_738 : vector<1x64x1024xf32> to vector<64x1024xf32>
    %swap3A_740 = vector.shape_cast %add3A_734 : vector<64x1024xf32> to vector<1x64x1024xf32>
    tpu.vector_store %arg8[%swap3A_735, %swap3A_736, %swap3A_737], %swap3A_740 {strides = array<i32>} : memref<40x64x1024xf32, #tpu.memory_space<vmem>>, vector<1x64x1024xf32>,
    %slice3A_741 = vector.extract_strided_slice %get3A_16 {offsets = [38, 0], sizes = [1, 1024], strides = [1, 1]} : vector<40x1024xi32> to vector<1x1024xi32>
    %broadcast_in_dim3A_742 = vector.shape_cast %slice3A_741 : vector<1x1024xi32> to vector<1x1024xi32>
    %broadcast_in_dim3A_743 = vector.broadcast %broadcast_in_dim3A_742 : vector<1x1024xi32> to vector<208x1024xi32>
    %eq3A_744 = arith.cmpi eq, %broadcast_in_dim3A_743, %iota3A : vector<208x1024xi32>
    %slice3A_745 = vector.extract_strided_slice %convert_element_type3A {offsets = [38, 0, 0], sizes = [1, 32, 1024], strides = [1, 1, 1]} : vector<40x32x1024xbf16> to vector<1x32x1024xbf16>
    %squeeze3A_746 = vector.shape_cast %slice3A_745 : vector<1x32x1024xbf16> to vector<32x1024xbf16>
    %convert_element_type3A_747 = arith.extui %eq3A_744 : vector<208x1024xi1> to vector<208x1024xi32>
    %convert_element_type3A_748 = arith.sitofp %convert_element_type3A_747 : vector<208x1024xi32> to vector<208x1024xf32>
    %convert_element_type3A_749 = arith.truncf %convert_element_type3A_748 : vector<208x1024xf32> to vector<208x1024xbf16>
    %concatenate3A_750 = tpu.concatenate %squeeze3A_746, %convert_element_type3A_749 in 0 : vector<32x1024xbf16>, vector<208x1024xbf16> -> vector<240x1024xbf16>
    %dot_general3A_751 = arith.constant dense<0.000000e+00> : vector<64x1024xf32>
    %dot_general3A_752 = tpu.matmul %concatenate3A, %concatenate3A_750, %dot_general3A_751 {dimension_numbers = #tpu.dot_dimension_numbers<[1], [0], [0], [1], [0, 0, 1, 1], [], []>, transpose_lhs_hint = false} : vector<64x240xbf16>, vector<240x1024xbf16>, vector<64x1024xf32> -> vector<64x1024xf32>
    %add3A_753 = arith.addf %dot_general3A_752, %add3A : vector<64x1024xf32>
    %swap3A_754 = arith.constant 38 : index
    %swap3A_755 = arith.constant 0 : index
    %swap3A_756 = arith.constant 0 : index
    %swap3A_757 = vector.load %arg8[%swap3A_754, %swap3A_755, %swap3A_756] : memref<40x64x1024xf32, #tpu.memory_space<vmem>>, vector<1x64x1024xf32>
    %swap3A_758 = vector.shape_cast %swap3A_757 : vector<1x64x1024xf32> to vector<64x1024xf32>
    %swap3A_759 = vector.shape_cast %add3A_753 : vector<64x1024xf32> to vector<1x64x1024xf32>
    tpu.vector_store %arg8[%swap3A_754, %swap3A_755, %swap3A_756], %swap3A_759 {strides = array<i32>} : memref<40x64x1024xf32, #tpu.memory_space<vmem>>, vector<1x64x1024xf32>,
    %slice3A_760 = vector.extract_strided_slice %get3A_16 {offsets = [39, 0], sizes = [1, 1024], strides = [1, 1]} : vector<40x1024xi32> to vector<1x1024xi32>
    %broadcast_in_dim3A_761 = vector.shape_cast %slice3A_760 : vector<1x1024xi32> to vector<1x1024xi32>
    %broadcast_in_dim3A_762 = vector.broadcast %broadcast_in_dim3A_761 : vector<1x1024xi32> to vector<208x1024xi32>
    %eq3A_763 = arith.cmpi eq, %broadcast_in_dim3A_762, %iota3A : vector<208x1024xi32>
    %slice3A_764 = vector.extract_strided_slice %convert_element_type3A {offsets = [39, 0, 0], sizes = [1, 32, 1024], strides = [1, 1, 1]} : vector<40x32x1024xbf16> to vector<1x32x1024xbf16>
    %squeeze3A_765 = vector.shape_cast %slice3A_764 : vector<1x32x1024xbf16> to vector<32x1024xbf16>
    %convert_element_type3A_766 = arith.extui %eq3A_763 : vector<208x1024xi1> to vector<208x1024xi32>
    %convert_element_type3A_767 = arith.sitofp %convert_element_type3A_766 : vector<208x1024xi32> to vector<208x1024xf32>
    %convert_element_type3A_768 = arith.truncf %convert_element_type3A_767 : vector<208x1024xf32> to vector<208x1024xbf16>
    %concatenate3A_769 = tpu.concatenate %squeeze3A_765, %convert_element_type3A_768 in 0 : vector<32x1024xbf16>, vector<208x1024xbf16> -> vector<240x1024xbf16>
    %dot_general3A_770 = arith.constant dense<0.000000e+00> : vector<64x1024xf32>
    %dot_general3A_771 = tpu.matmul %concatenate3A, %concatenate3A_769, %dot_general3A_770 {dimension_numbers = #tpu.dot_dimension_numbers<[1], [0], [0], [1], [0, 0, 1, 1], [], []>, transpose_lhs_hint = false} : vector<64x240xbf16>, vector<240x1024xbf16>, vector<64x1024xf32> -> vector<64x1024xf32>
    %add3A_772 = arith.addf %dot_general3A_771, %add3A : vector<64x1024xf32>
    %swap3A_773 = arith.constant 39 : index
    %swap3A_774 = arith.constant 0 : index
    %swap3A_775 = arith.constant 0 : index
    %swap3A_776 = vector.load %arg8[%swap3A_773, %swap3A_774, %swap3A_775] : memref<40x64x1024xf32, #tpu.memory_space<vmem>>, vector<1x64x1024xf32>
    %swap3A_777 = vector.shape_cast %swap3A_776 : vector<1x64x1024xf32> to vector<64x1024xf32>
    %swap3A_778 = vector.shape_cast %add3A_772 : vector<64x1024xf32> to vector<1x64x1024xf32>
    tpu.vector_store %arg8[%swap3A_773, %swap3A_774, %swap3A_775], %swap3A_778 {strides = array<i32>} : memref<40x64x1024xf32, #tpu.memory_space<vmem>>, vector<1x64x1024xf32>,
    return
  }
  func.func @transform_0(%arg0: i32) -> (i32, i32, i32) {
    %c0_i32 = arith.constant 0 : i32
    %c0_i32_0 = arith.constant 0 : i32
    %c0_i32_1 = arith.constant 0 : i32
    return %arg0, %c0_i32, %c0_i32_0 : i32, i32, i32
  }
  func.func @transform_1(%arg0: i32) -> (i32, i32) {
    %c0_i32 = arith.constant 0 : i32
    %c0_i32_0 = arith.constant 0 : i32
    return %arg0, %c0_i32 : i32, i32
  }
  func.func @transform_2(%arg0: i32) -> (i32, i32) {
    %c0_i32 = arith.constant 0 : i32
    %c0_i32_0 = arith.constant 0 : i32
    %c0_i32_1 = arith.constant 0 : i32
    return %c0_i32, %c0_i32_0 : i32, i32
  }
  func.func @transform_3(%arg0: i32) -> (i32, i32) {
    %c0_i32 = arith.constant 0 : i32
    %c0_i32_0 = arith.constant 0 : i32
    %c0_i32_1 = arith.constant 0 : i32
    return %c0_i32, %c0_i32_0 : i32, i32
  }
  func.func @transform_4(%arg0: i32) -> (i32, i32) {
    %c0_i32 = arith.constant 0 : i32
    %c0_i32_0 = arith.constant 0 : i32
    %c0_i32_1 = arith.constant 0 : i32
    return %c0_i32, %c0_i32_0 : i32, i32
  }
  func.func @transform_5(%arg0: i32) -> (i32, i32) {
    %c0_i32 = arith.constant 0 : i32
    %c0_i32_0 = arith.constant 0 : i32
    %c0_i32_1 = arith.constant 0 : i32
    return %c0_i32, %c0_i32_0 : i32, i32
  }
  func.func @transform_6(%arg0: i32) -> (i32, i32) {
    %c0_i32 = arith.constant 0 : i32
    %c0_i32_0 = arith.constant 0 : i32
    %c0_i32_1 = arith.constant 0 : i32
    return %c0_i32, %c0_i32_0 : i32, i32
  }
  func.func @transform_7(%arg0: i32) -> (i32, i32, i32) {
    %c0_i32 = arith.constant 0 : i32
    %c0_i32_0 = arith.constant 0 : i32
    %c0_i32_1 = arith.constant 0 : i32
    return %arg0, %c0_i32, %c0_i32_0 : i32, i32, i32
  }
}

</mosaic_0001>

<sc_bundles>
// kernel: kernel.6.cloned.1.call-start
scs
__scs_entry_jumppad:
0x0: {  	(pc) =	sbr.rel $0x88, $3  }
0x1: {  	(tag) =	ssettag $0x0;
	lr =	simm.s32 $0x1  }
0x2: {  	[smem:$0x3F97] =	sst lr;
	_ =	strace $0xD0000000  }
0x3: {  	_ = 	snop  }
0x4: {  	_ = 	snop  }
0x5: {  	_ = 	snop  }
0x6: {  	_ = 	snop  }
0x7: {  	_ = 	snop  }
__scs_overlays_trampoline_lowered:
0x8: {  	[smem:$0x3FA6] =	sst s0  }
0x9: {  	[smem:$0x3FA7] =	sst s1  }
0xa: {  	[smem:$0x3FA8] =	sst s2  }
0xb: {  	[smem:$0x3FA9] =	sst s3  }
0xc: {  	[smem:$0x3FAA] =	sst s4  }
0xd: {  	[smem:$0x3FAB] =	sst s5  }
0xe: {  	[smem:$0x3FAC] =	sst s6  }
0xf: {  	[smem:$0x3FAD] =	sst s7  }
0x10: {  	[smem:$0x3FAE] =	sst s8  }
0x11: {  	[smem:$0x3FAF] =	sst s9;
	s0 =	simm.s32 @!p0 $0x0  }
0x12: {  	s1 =	sld [smem:$0x3F95];
	s0 =	simm.s32 @p0 $0x1  }
0x13: {  	[smem:$0x3FB0] =	sst s0;
	s0 =	simm.s32 @!p1 $0x0  }
0x14: {  	s2 =	sld [smem:$0x3F94];
	s0 =	simm.s32 @p1 $0x1  }
0x15: {  	[smem:$0x3FB1] =	sst s0;
	s0 =	simm.s32 @!p2 $0x0  }
0x16: {  	s3 =	sld [smem:$0x3FDB];
	s0 =	simm.s32 @p2 $0x1  }
0x17: {  	s4 =	simm.s32 $0x1BF5;
	[smem:$0x3FB3] =	sst s0  }
0x18: {  	s0 =	sld [smem:$0x3F96];
	_ =	swait.ge [sflag:s4], $0x0  }
0x19: {  	s7 =	sld [smem:$0x3F97]  }
0x1a: {  	s8 =	sadd.s32 $0xFFFFE003, lr  }
0x1b: {  	s9 =	sadd.s32 $0xFFFFFEF7, lr;
	s5 =	simm.s32 $0xFFFFFFFF;
	p2 =	slt.u32 s8, $0xFFFFF086  }
0x1c: {  	p1 =	slt.u32 s9, $0xF7A;
	s5 =	simm.s32 @!p2 $0x0  }
0x1d: {  	s5 =	simm.s32 @p1 $0x1;
	p0 =	seq.s32 s7, s2  }
0x1e: {  	s7 =	smul.u32 @!p0 $0xF7A, s2;
	p2 =	seq.s32 @!p0 s5, $0x0  }
0x1f: {  	s9 =	smul.u32 $0xF7A, s1;
	s8 =	simm.s32 @!p0 $0x1BF5;
	p2 =	por !p2, p0  }
0x20: {  	[sflag:s8] =	ssyncset.s32 @!p0 $0xFFFFF086;
	s6 =	sadd.s32 @!p0 s3, s7;
	s7 =	simm.s32 @!p0 $0x108  }
0x21: {  	s3 =	sadd.s32 s3, s9;
	s6 =	sadd.s32 @!p0 $0x88, s6;
	s7 =	simm.s32 @p2 $0x1082  }
0x22: {  	[simem:s7], [sflag:s8] =	dma.local @!p0 [hbm:s6], $0xF7A  }
0x23: {  	s9 =	sor.u32 $0xD0000000, s2;
	s6 =	simm.s32 $0x108;
	_ =	swait.ge @!p0 [sflag:s8], $0x0  }
0x24: {  	s3 =	sadd.s32 $0x88, s3;
	s6 =	simm.s32 @!p1 $0x1082;
	[sflag:s4] =	ssyncset.s32 $0xFFFFF086  }
0x25: {  	[simem:s6], [sflag:s4] =	dma.local [hbm:s3], $0xF7A  }
0x26: {  	[smem:$0x3F97] =	sst s1;
	(tag) =	ssettag s2;
	_ =	strace s9  }
0x27: {  	s1 =	sld [smem:$0x3FA7]  }
0x28: {  	s2 =	sld [smem:$0x3FA8]  }
0x29: {  	s4 =	sld [smem:$0x3FAA]  }
0x2a: {  	p0 =	seq.s32 s5, $0x0;
	s5 =	sld [smem:$0x3FAB]  }
0x2b: {  	s6 =	sld [smem:$0x3FAC]  }
0x2c: {  	s7 =	sld [smem:$0x3FAD]  }
0x2d: {  	s3 =	simm.s32 $0x108;
	s8 =	sld [smem:$0x3FAE]  }
0x2e: {  	s3 =	simm.s32 @!p0 $0x1082;
	s9 =	sld [smem:$0x3FAF]  }
0x2f: {  	lr =	sadd.s32 s0, s3;
	s0 =	sld [smem:$0x3FA6]  }
0x30: {  	s3 =	sld [smem:$0x3FA9]  }
0x31: {  	[smem:$0x3FB2] =	sst s10  }
0x32: {  	s10 =	sld [smem:$0x3FB0];
	_ =	sdelay $0x3  }
0x33: {  	p0 =	seq.s32 s10, $0x1;
	s10 =	sld [smem:$0x3FB2];
	_ =	sdelay $0x3  }
0x34: {  	[smem:$0x3FB2] =	sst s10  }
0x35: {  	s10 =	sld [smem:$0x3FB1];
	_ =	sdelay $0x3  }
0x36: {  	p1 =	seq.s32 s10, $0x1;
	s10 =	sld [smem:$0x3FB2];
	_ =	sdelay $0x3  }
0x37: {  	[smem:$0x3FB2] =	sst s10  }
0x38: {  	s10 =	sld [smem:$0x3FB3]  }
0x39: {  	_ = 	snop;
	(pc) =	sbr.ind lr, $3  }
0x3a: {  	_ = 	snop  }
0x3b: {  	_ = 	snop  }
0x3c: {  	p2 =	seq.s32 s10, $0x1;
	s10 =	sld [smem:$0x3FB2]  }
0x3d: {  	_ =	shalt  }
0x3e: {  	_ =	shalt  }
0x3f: {  	_ =	shalt  }
0x40: {  	_ =	shalt  }
0x41: {  	_ =	shalt  }
0x42: {  	_ =	shalt  }
0x43: {  	_ =	shalt  }
0x44: {  	_ =	shalt  }
0x45: {  	_ =	shalt  }
0x46: {  	_ =	shalt  }
0x47: {  	_ =	shalt  }
0x48: {  	_ =	shalt  }
0x49: {  	_ =	shalt  }
0x4a: {  	_ =	shalt  }
0x4b: {  	_ =	shalt  }
0x4c: {  	_ =	shalt  }
0x4d: {  	_ =	shalt  }
0x4e: {  	_ =	shalt  }
0x4f: {  	_ =	shalt  }
0x50: {  	_ =	shalt  }
0x51: {  	_ =	shalt  }
0x52: {  	_ =	shalt  }
0x53: {  	_ =	shalt  }
0x54: {  	_ =	shalt  }
0x55: {  	_ =	shalt  }
0x56: {  	_ =	shalt  }
0x57: {  	_ =	shalt  }
0x58: {  	_ =	shalt  }
0x59: {  	_ =	shalt  }
0x5a: {  	_ =	shalt  }
0x5b: {  	_ =	shalt  }
0x5c: {  	_ =	shalt  }
0x5d: {  	_ =	shalt  }
0x5e: {  	_ =	shalt  }
0x5f: {  	_ =	shalt  }
0x60: {  	_ =	shalt  }
0x61: {  	_ =	shalt  }
0x62: {  	_ =	shalt  }
0x63: {  	_ =	shalt  }
0x64: {  	_ =	shalt  }
0x65: {  	_ =	shalt  }
0x66: {  	_ =	shalt  }
0x67: {  	_ =	shalt  }
0x68: {  	_ =	shalt  }
0x69: {  	_ =	shalt  }
0x6a: {  	_ =	shalt  }
0x6b: {  	_ =	shalt  }
0x6c: {  	_ =	shalt  }
0x6d: {  	_ =	shalt  }
0x6e: {  	_ =	shalt  }
0x6f: {  	_ =	shalt  }
0x70: {  	_ =	shalt  }
0x71: {  	_ =	shalt  }
0x72: {  	_ =	shalt  }
0x73: {  	_ =	shalt  }
0x74: {  	_ =	shalt  }
0x75: {  	_ =	shalt  }
0x76: {  	_ =	shalt  }
0x77: {  	_ =	shalt  }
0x78: {  	_ =	shalt  }
0x79: {  	_ =	shalt  }
0x7a: {  	_ =	shalt  }
0x7b: {  	_ =	shalt  }
0x7c: {  	_ =	shalt  }
0x7d: {  	_ =	shalt  }
0x7e: {  	_ =	shalt  }
0x7f: {  	_ =	shalt  }
0x80: {  	_ =	shalt  }
0x81: {  	_ =	shalt  }
0x82: {  	_ =	shalt  }
0x83: {  	_ =	shalt  }
0x84: {  	_ =	shalt  }
0x85: {  	_ =	shalt  }
0x86: {  	_ =	shalt  }
0x87: {  	_ =	shalt  }
.Lfunc_end0:
.L_simem_size_0:
called_computation_lowered:
.L_overlay_start_0:
0x88: {  	s2 =	sld [smem:$0x3FD9]  }
0x89: {  	s3 =	sld [smem:$0x3FFE];
	_ =	sdelay $0x1  }
0x8a: {  	s1 =	srdreg.scid  }
0x8b: {  	s0 =	sand.u32 $0x1, s1  }
0x8c: {  	s17 =	sshll.u32 s0, $0xA;
	s2 =	sadd.s32 s3, s2  }
0x8d: {  	s2 =	sadd.s32 s2, s17  }
0x8e: {  	[smem:$0x3FBE] =	sst s2  }
0x8f: {  	_ = 	snop  }
0x90: {  	s2 =	sld [smem:$0x3FC7]  }
0x91: {  	s18 =	sld [smem:$0x3FD0];
	(tm) =	ssettm $0x1  }
0x92: {  	s4 =	sld [smem:$0x3FFB];
	_ =	sdelay $0x3  }
0x93: {  	_ =	strace s4  }
0x94: {  	s4 =	sld [smem:$0x3FFC];
	_ =	sdelay $0x3  }
0x95: {  	_ =	strace s4  }
0x96: {  	s4 =	sld [smem:$0x3FFD];
	_ =	sdelay $0x3  }
0x97: {  	_ =	strace s4  }
0x98: {  	_ =	strace $0x8FFFFFFF  }
0x99: {  	s19 =	sld [smem:$0x3FDB];
	_ =	sdelay $0x1  }
0x9a: {  	s5 =	simm.s32 $_scs_section_size  }
0x9b: {  	s6 =	simm.s32 $_size__tile_overlayer_lowered;
	s7 =	simm.s32 $_tile_overlayer_lowered  }
0x9c: {  	s22 =	simm.s32 $0x1BFF;
	s21 =	sshll.u32 s7, $0x1;
	s4 =	sadd.s32 s5, s19  }
0x9d: {  	s8 =	simm.s32 $0x0;
	s20 =	sshll.u32 s6, $0x1;
	s6 =	sadd.s32 s21, s4  }
0x9e: {  	[timem:s8], [sflag:s22] =	dma.local [hbm:s6], s20  }
0x9f: {  	_ =	swait.ge [sflag:s22], s20  }
0xa0: {  	s5 =	ssub.s32 $0x0, s20;
	[sflag:s22] =	ssyncset.done $0x0  }
0xa1: {  	[sflag:s22] =	ssyncadd.s32 s5;
	_ =	sdelay $0x1  }
0xa2: {  	s23 =	simm.s32 $0x1B8B  }
0xa3: {  	_ =	swait.ge [sflag:s23], $0x1  }
0xa4: {  	[sflag:s23] =	ssyncset.done $0x0  }
0xa5: {  	s25 =	simm.s32 $0x1B8E;
	s24 =	sld [smem:$0x3FFE];
	[sflag:s23] =	ssyncadd.s32 $0xFFFFFFFF  }
0xa6: {  	s26 =	simm.s32 $execute0_lowered;
	[smem:$0x3FD2] =	sst s25  }
0xa7: {  	s6 =	sshll.u32 s26, $0x1;
	_ =	strace $0x80000046;
	[dreg:$0x1] =	wrdreg $0xFFFFFFFF  }
0xa8: {  	s28 =	simm.s32 $_size_execute0_lowered;
	s4 =	sadd.s32 s4, s6;
	[dreg:$0x0] =	wrdreg $0x0  }
0xa9: {  	s6 =	sshll.u32 s28, $0x1;
	[dreg:$0x2] =	wrdreg s4  }
0xaa: {  	[dreg:$0x3] =	wrdreg s6  }
0xab: {  	[dreg:$0x4] =	wrdreg $0xC0  }
0xac: {  	_ =	task [dreg:s8], $0x5FFFF  }
0xad: {  	[dreg:$0x1] =	wrdreg $0xFFFFFFFF  }
0xae: {  	[dreg:$0x0] =	wrdreg $0x60  }
0xaf: {  	[dreg:$0x2] =	wrdreg s18  }
0xb0: {  	[dreg:$0x3] =	wrdreg s2  }
0xb1: {  	[dreg:$0x4] =	wrdreg s24  }
0xb2: {  	[dreg:$0x5] =	wrdreg $0x9  }
0xb3: {  	_ =	task.clear_ibuf [dreg:s8], $0x6FFFF;
	_ =	strace $0x90000046  }
0xb4: {  	s29 =	simm.s32 $0x9;
	_ =	strace $0x80000048  }
0xb5: {  	_ =	swait.ge [sflag:s29], $0x1  }
0xb6: {  	[sflag:s29] =	ssyncadd.s32 $0xFFFFFFFF  }
0xb7: {  	_ =	strace $0x90000048  }
0xb8: {  	_ =	sfence  }
0xb9: {  	s30 =	sld [smem:$0x0];
	_ =	sdelay $0x2  }
0xba: {  	s31 =	sshll.u32 s1, $0xD;
	s1 =	sshrl.u32 s1, $0x2  }
0xbb: {  	s3 =	sand.u32 $0x4000, s31;
	s1 =	sadd.s32 s1, s30  }
0xbc: {  	s0 =	sor.u32 s3, s0;
	s1 =	sshll.u32 s1, $0x11  }
0xbd: {  	s0 =	sor.u32 s1, s0  }
0xbe: {  	s0 =	sadd.s32 $0x8F2B, s0  }
0xbf: {  	[sflag:s0] =	ssyncadd.remote.s32 $0x1  }
0xc0: {  	_ =	sfence.sel $0xFFFF  }
0xc1: {  	[dreg:$0x0] =	wrdreg $0xFFFFFFFF;
	(pc) =	sbr.abs _section_cstart, $3  }
0xc2: {  	[dreg:$0x1] =	wrdreg $0xFFFFFFFF  }
0xc3: {  	_ =	task.clear_ibuf [dreg:s8], $0x2FFFF;
	_ =	strace $0x9FFFFFFF  }
0xc4: {  	(tm) =	ssettm $0x7FFFFFFF  }
0xc5: {  	_ =	shalt  }
tec
execute0_lowered:
.L_overlay_start_1:
0x0: {  	(tag) =	ssettag $0x1  }
0x1: {  	s1 =	rddreg [dreg:$0x0];
	s2 =	srdreg.scid  }
0x2: {  	s4 =	rddreg [dreg:$0x1];
	s0 =	stileid.u32  }
0x3: {  	s9 =	rddreg [dreg:$0x2];
	s3 =	simm.s32 $0x0;
	s6 =	sand.u32 $0x1, s2  }
0x4: {  	s5 =	sshll.u32 s0, $0x6;
	s2 =	rddreg [dreg:$0x3];
	s7 =	sshll.u32 s6, $0x5  }
0x5: {  	s8 =	simm.s32 $0x1;
	[smem:$0x7FF] =	sst s3;
	s10 =	sor.u32 s7, s5  }
0x6: {  	_ =	strace $0x80000047;
	s11 =	ssub.s32 $0x2, s6;
	s5 =	sshrl.u32 s10, $0x3  }
0x7: {  	s6 =	simm.s32 $0x20;
	s5 =	sadd.s32 s4, s5;
	s4 =	simm.s32 $0x2  }
0x8: {  	[tilespmem:s3], [sflag:$0x2] =	stream.linear.gather [hbm4b:s5+s3], $0x20, $0x38;
	[tilespmem:$0x1080] =	vst v63  }
0x9: {  	s7 =	simm.s32 $0x80;
	s12 =	sshrl.u32 s11, $0x1;
	_ =	swait.ge [sflag:s4], $0x20  }
0xa: {  	s10 =	sshll.u32 s10, $0x4;
	s31 =	ssub.s32 s11, s12;
	[sflag:s4] =	ssyncset.done $0x0  }
0xb: {  	s9 =	sadd.s32 s10, s9;
	s10 =	smax.u32 s31, $0x1;
	[sflag:s4] =	ssyncadd.s32 $0xFFFFFFE0  }
0xc: {  	[tilespmem:s7], [sflag:$0x1] =	stream.indirect.gather [hbm4b:s1+s6], $0x80, s3, s6, $0xb8;
	[tilespmem:$0x1080] =	vst v63  }
0xd: {  	p0 =	sne.s32 s10, $0x1;
	_ =	swait.ge [sflag:s8], $0x1000  }
.Ltmp0:
0xe: {  	[sflag:s8] =	ssyncset.done $0x0;
	(pc) =	sbr.rel @!p0 .LBB2_2-.Ltmp0, $4  }
0xf: {  	s9 =	sadd.s32 $0x1000, s9;
	[sflag:s8] =	ssyncadd.s32 $0xFFFFF000  }
0x10: {  	[hbm4b:s9+s3] =	stream.linear.scatter [tilespmem:s7], [sflag:$0x2], $0x1000, $0x38;
	[tilespmem:$0x1080] =	vst v63  }
0x11: {  	_ =	swait.ge [sflag:s4], $0x1000  }
0x12: {  	s10 =	sadd.s32 $0xFFFFFFFF, s10;
	[sflag:s4] =	ssyncset.done $0x0  }
.LBB2_1:
0x13: {  	p0 =	sne.s32 s10, $0x1;
	s10 =	sadd.s32 $0xFFFFFFFF, s10;
	[sflag:s4] =	ssyncadd.s32 $0xFFFFF000  }
0x14: {  	[tilespmem:s3], [sflag:$0x2] =	stream.linear.gather [hbm4b:s5+s3], $0x20, $0x38;
	[tilespmem:$0x1080] =	vst v63  }
0x15: {  	_ =	swait.ge [sflag:s4], $0x20  }
0x16: {  	[sflag:s4] =	ssyncset.done $0x0  }
0x17: {  	[sflag:s4] =	ssyncadd.s32 $0xFFFFFFE0  }
0x18: {  	[tilespmem:s7], [sflag:$0x1] =	stream.indirect.gather [hbm4b:s1+s6], $0x80, s3, s6, $0xb8;
	[tilespmem:$0x1080] =	vst v63  }
0x19: {  	_ =	swait.ge [sflag:s8], $0x1000  }
.Ltmp1:
0x1a: {  	[sflag:s8] =	ssyncset.done $0x0;
	(pc) =	sbr.rel @p0 .LBB2_1-.Ltmp1, $4  }
0x1b: {  	[sflag:s8] =	ssyncadd.s32 $0xFFFFF000  }
0x1c: {  	[hbm4b:s9+s3] =	stream.linear.scatter [tilespmem:s7], [sflag:$0x2], $0x1000, $0x38;
	[tilespmem:$0x1080] =	vst v63  }
0x1d: {  	_ =	swait.ge [sflag:s4], $0x1000  }
0x1e: {  	[sflag:s4] =	ssyncset.done $0x0  }
.LBB2_2:
0x1f: {  	[sflag:s4] =	ssyncadd.s32 $0xFFFFF000  }
0x20: {  	_ =	sfence.sel $0x180000  }
0x21: {  	[bflag:$0x0] =	sbarrier.arrive $0xFFFF  }
0x22: {  	p0 =	sne.s32 s0, $0x0;
	_ =	strace $0x90000047  }
0x23: {  	s0 =	sadd.s32 @!p0 $0x100000, s2;
	[bflag:$0x2] =	sbarrier.arrive $0xFFFF  }
0x24: {  	[sflag:s0] =	ssyncadd.tile.s32 @!p0 $0x1;
	_ =	shalt  }
.Lfunc_end2:
_tile_overlayer_lowered:
.L_overlay_start_2:
0x25: {  	(tag) =	ssettag $0x2  }
0x26: {  	s0 =	rddreg [dreg:$0x0];
	s2 =	stileid.u32  }
0x27: {  	s1 =	rddreg [dreg:$0x1];
	p0 =	sne.s32 s2, $0x0  }
0x28: {  	s3 =	rddreg [dreg:$0x2];
	[bflag:$0x3] =	sbarrier.arrive $0xFFFF;
	s2 =	simm.s32 @!p0 $0x1C02  }
0x29: {  	[timem:s3], [sflag:s2] =	dma.local @!p0 [hbm:s0], s1  }
0x2a: {  	s0 =	simm.s32 @!p0 $0x2  }
0x2b: {  	_ =	swait.ge @!p0 [sflag:s0], s1  }
0x2c: {  	s1 =	ssub.s32 @!p0 $0x0, s1;
	[sflag:s0] =	ssyncset.done @!p0 $0x0  }
0x2d: {  	[sflag:s0] =	ssyncadd.s32 @!p0 s1  }
0x2e: {  	[bflag:$0x3] =	sbarrier.arrive $0xFFFF  }
0x2f: {  	_ =	shalt  }

</sc_bundles>
